<compile_context>
chip_gen: v7x
topology: tpu7x:2x2x1
jax: 0.10.2.dev20260603
libtpu: 0.0.44.dev20260713+nightly
codegen_flags: <defaults>
</compile_context>

<pallas_src>
import functools

import jax
import jax.numpy as jnp
from jax import lax
from jax.experimental import pallas as pl
from jax.experimental.pallas import tpu as pltpu
from jax.experimental.pallas import tpu_sc as plsc

N0, N1, D = 10000, 2500, 128
N1X = 2512
NA = N0 + N1X
NS2 = 13000
ND = 12544
E0, E1 = 320000, 40000
K = 64
KI = 80
NC, NS = 2, 16
NW = NC * NS
NCH = 5664
CPT = NCH // NW
F32 = jnp.float32

_mesh = plsc.VectorSubcoreMesh(core_axis_name="c", subcore_axis_name="s")


def _split16(s, per, total, fn):
    last = total - 15 * per

    @pl.when(s < 15)
    def _():
        fn(s * per, per)

    @pl.when(s == 15)
    def _():
        fn(15 * per, last)


def _sc_seg_body(xc_h, se_h, de_h, z128_h, z1d_h, one1_h,
                 agg_o, deg_o,
                 idx0_v, idx1_v, idx2_v, dst0_v, dst1_v, dst2_v,
                 rows0_v, rows1_v, rows2_v, ones_v,
                 acc_s, deg_s,
                 semg0, semg1, semg2, sems0, sems1, sems2,
                 seml0, seml1, seml2):
    c = lax.axis_index("c")
    s = lax.axis_index("s")
    wid = s * NC + c
    base = wid * CPT
    idx = [idx0_v, idx1_v, idx2_v]
    dst = [dst0_v, dst1_v, dst2_v]
    rows = [rows0_v, rows1_v, rows2_v]
    semg = [semg0, semg1, semg2]
    sems = [sems0, sems1, sems2]
    seml = [seml0, seml1, seml2]

    _split16(s, 784, NA, lambda off, sz:
             pltpu.sync_copy(z128_h.at[pl.ds(0, sz)],
                             acc_s.at[pl.ds(off, sz)]))
    _split16(s, 768, ND, lambda off, sz:
             pltpu.sync_copy(z1d_h.at[pl.ds(0, sz)],
                             deg_s.at[pl.ds(off, sz)]))
    pltpu.sync_copy(one1_h.at[pl.ds(0, K)], ones_v)
    plsc.subcore_barrier()

    def load(ch, q):
        pltpu.async_copy(se_h.at[pl.ds((base + ch) * K, K)], idx[q], seml[q])
        pltpu.async_copy(de_h.at[pl.ds((base + ch) * K, K)], dst[q], seml[q])

    def drain_load(q):
        pltpu.make_async_copy(se_h.at[pl.ds(0, K)], idx[q], seml[q]).wait()
        pltpu.make_async_copy(de_h.at[pl.ds(0, K)], dst[q], seml[q]).wait()

    def gather(q):
        pltpu.async_copy(xc_h.at[idx[q]], rows[q], semg[q])

    def drain_rows(q):
        pltpu.make_async_copy(xc_h.at[pl.ds(0, K)], rows[q], semg[q]).wait()

    def scat(q):
        pltpu.async_copy(rows[q], acc_s.at[dst[q]], sems[q], add=True)
        pltpu.async_copy(ones_v, deg_s.at[dst[q]], sems[q], add=True)

    def drain_scat(q):
        pltpu.make_async_copy(xc_h.at[pl.ds(0, K)], rows[q], sems[q]).wait()
        pltpu.make_async_copy(one1_h.at[pl.ds(0, K)], ones_v, sems[q]).wait()

    load(0, 0)
    load(1, 1)
    drain_load(0)
    gather(0)

    def chunk_step(cc, q):
        q1 = (q + 1) % 3
        q2 = (q + 2) % 3
        drain_rows(q)
        scat(q)

        @pl.when(cc >= 1)
        def _():
            drain_scat(q2)

        @pl.when(cc + 2 < CPT)
        def _():
            load(cc + 2, q2)

        @pl.when(cc + 1 < CPT)
        def _():
            drain_load(q1)
            gather(q1)

    def body(j, carry):
        c0 = 3 * j
        chunk_step(c0, 0)
        chunk_step(c0 + 1, 1)
        chunk_step(c0 + 2, 2)
        return carry

    lax.fori_loop(0, CPT // 3, body, 0)
    drain_scat((CPT - 1) % 3)
    plsc.subcore_barrier()

    _split16(s, 632, N0, lambda off, sz:
             pltpu.sync_copy(acc_s.at[pl.ds(off, sz)],
                             agg_o.at[pl.ds(c * NS2 + off, sz)]))
    _split16(s, 160, N1X, lambda off, sz:
             pltpu.sync_copy(acc_s.at[pl.ds(N0 + off, sz)],
                             agg_o.at[pl.ds(c * NS2 + N0 + off, sz)]))
    _split16(s, 768, ND, lambda off, sz:
             pltpu.sync_copy(deg_s.at[pl.ds(off, sz)],
                             deg_o.at[pl.ds(c * ND + off, sz)]))


_sc_seg = functools.partial(
    pl.kernel,
    mesh=_mesh,
    out_type=[
        jax.ShapeDtypeStruct((2 * NS2, D), F32),
        jax.ShapeDtypeStruct((2 * ND,), F32),
    ],
    scratch_types=[
        pltpu.VMEM((K,), jnp.int32),
        pltpu.VMEM((K,), jnp.int32),
        pltpu.VMEM((K,), jnp.int32),
        pltpu.VMEM((K,), jnp.int32),
        pltpu.VMEM((K,), jnp.int32),
        pltpu.VMEM((K,), jnp.int32),
        pltpu.VMEM((K, D), F32),
        pltpu.VMEM((K, D), F32),
        pltpu.VMEM((K, D), F32),
        pltpu.VMEM((K,), F32),
        pltpu.VMEM_SHARED((NA, D), F32),
        pltpu.VMEM_SHARED((ND,), F32),
        pltpu.SemaphoreType.DMA,
        pltpu.SemaphoreType.DMA,
        pltpu.SemaphoreType.DMA,
        pltpu.SemaphoreType.DMA,
        pltpu.SemaphoreType.DMA,
        pltpu.SemaphoreType.DMA,
        pltpu.SemaphoreType.DMA,
        pltpu.SemaphoreType.DMA,
        pltpu.SemaphoreType.DMA,
    ],
)(_sc_seg_body)

NCHI = N0 // KI
N1C = 2560


def _sc_inter_body(h_h, clu_h, clus_h, z128_h, z1d_h, one1_h,
                   aggf_o, aggc_o, degc_o,
                   idx_v, idxs_v, rows_v, rows2_v, ones_v, accc_s, degc_s,
                   sem):
    c = lax.axis_index("c")
    s = lax.axis_index("s")
    wid = s * NC + c

    _split16(s, 160, N1X, lambda off, sz:
             pltpu.sync_copy(z128_h.at[pl.ds(0, sz)],
                             accc_s.at[pl.ds(off, sz)]))
    _split16(s, 128, N1C, lambda off, sz:
             pltpu.sync_copy(z1d_h.at[pl.ds(0, sz)],
                             degc_s.at[pl.ds(off, sz)]))
    pltpu.sync_copy(one1_h.at[pl.ds(0, KI)], ones_v)
    plsc.subcore_barrier()

    def body(j, carry):
        ch = wid + j * NW

        @pl.when(ch < NCHI)
        def _():
            pltpu.sync_copy(clu_h.at[pl.ds(ch * KI, KI)], idx_v)
            pltpu.sync_copy(clus_h.at[pl.ds(ch * KI, KI)], idxs_v)
            pltpu.async_copy(h_h.at[idxs_v], rows_v, sem).wait()
            pltpu.sync_copy(rows_v, aggf_o.at[pl.ds(ch * KI, KI)])
            pltpu.sync_copy(h_h.at[pl.ds(ch * KI, KI)], rows2_v)
            pltpu.sync_copy(rows2_v, accc_s.at[idx_v], add=True)
            pltpu.sync_copy(ones_v, degc_s.at[idx_v], add=True)
        return carry

    lax.fori_loop(0, (NCHI + NW - 1) // NW, body, 0)
    plsc.subcore_barrier()

    _split16(s, 160, N1X, lambda off, sz:
             pltpu.sync_copy(accc_s.at[pl.ds(off, sz)],
                             aggc_o.at[pl.ds(c * N1X + off, sz)]))
    _split16(s, 128, N1C, lambda off, sz:
             pltpu.sync_copy(degc_s.at[pl.ds(off, sz)],
                             degc_o.at[pl.ds(c * N1C + off, sz)]))


_sc_inter = functools.partial(
    pl.kernel,
    mesh=_mesh,
    out_type=[
        jax.ShapeDtypeStruct((N0, D), F32),
        jax.ShapeDtypeStruct((2 * N1X, D), F32),
        jax.ShapeDtypeStruct((2 * N1C,), F32),
    ],
    scratch_types=[
        pltpu.VMEM((KI,), jnp.int32),
        pltpu.VMEM((KI,), jnp.int32),
        pltpu.VMEM((KI, D), F32),
        pltpu.VMEM((KI, D), F32),
        pltpu.VMEM((KI,), F32),
        pltpu.VMEM_SHARED((N1X, D), F32),
        pltpu.VMEM_SHARED((N1C,), F32),
        pltpu.SemaphoreType.DMA,
    ],
)(_sc_inter_body)


def _tc_h_body(x_ref, aa_ref, ab_ref, da_ref, db_ref, w_ref, o_ref):
    deg = jnp.maximum(da_ref[...] + db_ref[...], 1.0)
    agg = (aa_ref[...] + ab_ref[...]) / deg
    cat = jnp.concatenate([x_ref[...], agg], axis=1)
    o_ref[...] = jax.nn.relu(
        jnp.dot(cat, w_ref[0], preferred_element_type=F32))


def _tc_h2(x, aggp, degp, w_stk):
    g = NS2 // 1000
    return pl.pallas_call(
        _tc_h_body,
        grid=(g,),
        in_specs=[
            pl.BlockSpec((1000, D), lambda i: (i, 0)),
            pl.BlockSpec((1000, D), lambda i: (i, 0)),
            pl.BlockSpec((1000, D), lambda i, g=g: (i + g, 0)),
            pl.BlockSpec((1000, 1), lambda i: (i, 0)),
            pl.BlockSpec((1000, 1), lambda i, g=g: (i + g, 0)),
            pl.BlockSpec((1, 2 * D, D),
                         lambda i: (jnp.minimum(i // 10, 1), 0, 0)),
        ],
        out_specs=pl.BlockSpec((1000, D), lambda i: (i, 0)),
        out_shape=jax.ShapeDtypeStruct((NS2, D), F32),
    )(x, aggp, aggp, degp, degp, w_stk)


def _tc_out_mean_body(x_ref, h_ref, aa_ref, ab_ref, da_ref, db_ref, w_ref,
                      o_ref):
    deg = jnp.maximum(da_ref[...] + db_ref[...], 1.0)
    agg = (aa_ref[...] + ab_ref[...]) / deg
    cat = jnp.concatenate([h_ref[...], agg], axis=1)
    nz = jax.nn.relu(jnp.dot(cat, w_ref[...], preferred_element_type=F32))
    o_ref[...] = x_ref[...] + 0.5 * (h_ref[...] + nz)


def _tc_out_mean(x, h, aa, ab, da, db, w_cat, bn):
    n = x.shape[0]
    g = n // bn
    return pl.pallas_call(
        _tc_out_mean_body,
        grid=(g,),
        in_specs=[
            pl.BlockSpec((bn, D), lambda i: (i, 0)),
            pl.BlockSpec((bn, D), lambda i: (i, 0)),
            pl.BlockSpec((bn, D), lambda i: (i, 0)),
            pl.BlockSpec((bn, D), lambda i: (i, 0)),
            pl.BlockSpec((bn, 1), lambda i: (i, 0)),
            pl.BlockSpec((bn, 1), lambda i: (i, 0)),
            pl.BlockSpec((2 * D, D), lambda i: (0, 0)),
        ],
        out_specs=pl.BlockSpec((bn, D), lambda i: (i, 0)),
        out_shape=jax.ShapeDtypeStruct((n, D), F32),
    )(x, h, aa, ab, da, db, w_cat)


def _tc_out_gather_body(x_ref, h_ref, ag_ref, w_ref, o_ref):
    cat = jnp.concatenate([h_ref[...], ag_ref[...]], axis=1)
    nz = jax.nn.relu(jnp.dot(cat, w_ref[...], preferred_element_type=F32))
    o_ref[...] = x_ref[...] + 0.5 * (h_ref[...] + nz)


def _tc_out_gather(x, h, agg, w_cat, bn):
    n = x.shape[0]
    g = n // bn
    return pl.pallas_call(
        _tc_out_gather_body,
        grid=(g,),
        in_specs=[
            pl.BlockSpec((bn, D), lambda i: (i, 0)),
            pl.BlockSpec((bn, D), lambda i: (i, 0)),
            pl.BlockSpec((bn, D), lambda i: (i, 0)),
            pl.BlockSpec((2 * D, D), lambda i: (0, 0)),
        ],
        out_specs=pl.BlockSpec((bn, D), lambda i: (i, 0)),
        out_shape=jax.ShapeDtypeStruct((n, D), F32),
    )(x, h, agg, w_cat)


def kernel(x0, x1, edge_index0, edge_index1, inter_edge_index,
           W_self0, W_neigh0, W_self1, W_neigh1, W_self_i, W_neigh_i):
    npad = NCH * K - (E0 + E1)
    padv = N0 + N1 + (jnp.arange(npad, dtype=jnp.int32) % 8)
    src_all = jnp.concatenate([edge_index0[0], edge_index1[0] + N0, padv])
    dst_all = jnp.concatenate([edge_index0[1], edge_index1[1] + N0, padv])
    xc = jnp.concatenate([x0, x1, jnp.zeros((NS2 - N0 - N1, D), F32)],
                         axis=0)

    cluster = inter_edge_index[1, :N0] - N0
    clus = cluster + N0

    z128 = jnp.zeros((784, D), F32)
    z1d = jnp.zeros((1024,), F32)
    one1 = jnp.ones((128,), F32)

    aggp, degf = _sc_seg(xc, src_all, dst_all, z128, z1d, one1)
    zpad = jnp.zeros((NS2 - N0 - N1,), F32)
    degp = jnp.concatenate(
        [degf[:N0 + N1], zpad, degf[ND:ND + N0 + N1], zpad]
    ).reshape(2 * NS2, 1)

    w0 = jnp.concatenate([W_self0, W_neigh0], axis=0)
    w1 = jnp.concatenate([W_self1, W_neigh1], axis=0)
    wi = jnp.concatenate([W_self_i, W_neigh_i], axis=0)

    h = _tc_h2(xc, aggp, degp, jnp.stack([w0, w1]))

    aggf, aggcp, degcf = _sc_inter(h, cluster, clus, z128, z1d, one1)

    out0 = _tc_out_gather(x0, h, aggf, wi, 1000)
    out1 = _tc_out_mean(x1, h[N0:N0 + N1], aggcp[:N1], aggcp[N1X:N1X + N1],
                        degcf[:N1].reshape(N1, 1),
                        degcf[N1C:N1C + N1].reshape(N1, 1), wi, 2500)
    return (out0, out1)

# --- scband reference (transcript-rebuilt; emitter-appended) ---
"""Pipeline reference for scband-mee-layer-7902739824900 (READ-ONLY COPY).

The authoritative reference and input builder live on the scoring server;
editing this copy changes nothing except your own understanding.
"""

import jax, jax.numpy as jnp
import numpy as np

N0, E0 = 10000, 320000
N1, E1 = 2500, 40000
D = 128
STEM_BETA, BRANCH_BETA = 1.0, 0.5
KEEP_BETA, CROSS_BETA = 1.0, 1.0


def _gconv(edge_index, x, W_self, W_neigh, n_nodes):
    # GraphConv with mean aggregation: h' = relu(x @ W_self + mean_agg(x) @ W_neigh)
    src = edge_index[0]
    dst = edge_index[1]
    msg = jnp.take(x, src, axis=0)                      # gather (SparseCore)
    agg = jax.ops.segment_sum(msg, dst, num_segments=n_nodes)  # scatter-add
    deg = jax.ops.segment_sum(jnp.ones((edge_index.shape[1],), x.dtype), dst, num_segments=n_nodes)
    agg = agg / jnp.maximum(deg, 1.0)[:, None]
    return jax.nn.relu(x @ W_self + agg @ W_neigh)


def setup_inputs(seed: int = 0) -> dict:
    key = jax.random.key(seed)
    ks = jax.random.split(key, 12)
    x0 = jax.random.normal(ks[0], (N0, D), dtype=jnp.float32)
    x1 = jax.random.normal(ks[1], (N1, D), dtype=jnp.float32)
    edge_index0 = jax.random.randint(ks[2], (2, E0), 0, N0, dtype=jnp.int32)
    edge_index1 = jax.random.randint(ks[3], (2, E1), 0, N1, dtype=jnp.int32)
    cluster = jax.random.randint(ks[4], (N0,), 0, N1, dtype=jnp.int32)
    # inter-graph: bipartite fused graph over N0+N1 nodes, edges fine<->coarse per cluster
    fine = jnp.arange(N0, dtype=jnp.int32)
    coarse = cluster + N0
    src = jnp.concatenate([fine, coarse])
    dst = jnp.concatenate([coarse, fine])
    inter_edge_index = jnp.stack([src, dst], axis=0)
    scale = 1.0 / np.sqrt(D)
    W_self0 = jax.random.normal(ks[5], (D, D), dtype=jnp.float32) * scale
    W_neigh0 = jax.random.normal(ks[6], (D, D), dtype=jnp.float32) * scale
    W_self1 = jax.random.normal(ks[7], (D, D), dtype=jnp.float32) * scale
    W_neigh1 = jax.random.normal(ks[8], (D, D), dtype=jnp.float32) * scale
    W_self_i = jax.random.normal(ks[9], (D, D), dtype=jnp.float32) * scale
    W_neigh_i = jax.random.normal(ks[10], (D, D), dtype=jnp.float32) * scale
    return {"x0": x0, "x1": x1, "edge_index0": edge_index0, "edge_index1": edge_index1,
            "inter_edge_index": inter_edge_index,
            "W_self0": W_self0, "W_neigh0": W_neigh0,
            "W_self1": W_self1, "W_neigh1": W_neigh1,
            "W_self_i": W_self_i, "W_neigh_i": W_neigh_i}


def reference(x0, x1, edge_index0, edge_index1, inter_edge_index,
              W_self0, W_neigh0, W_self1, W_neigh1, W_self_i, W_neigh_i):
    # MeeLayer.forward with height=2, start_height=0, end_height=1,
    # vertical_first=False, cross_update_method='conv', no fusion_fc, no dropout.
    # 1) rightward (intra) update on each height
    h0 = _gconv(edge_index0, x0, W_self0, W_neigh0, N0)
    h1 = _gconv(edge_index1, x1, W_self1, W_neigh1, N1)
    # 2) vertical (cross) update via inter-conv on fused graph
    #    get_index_of_fused_groups with batch=1 -> x_idx=[0..N0), y_idx=[N0..N0+N1)
    cat_xy = jnp.concatenate([h0, h1], axis=0)
    nz = _gconv(inter_edge_index, cat_xy, W_self_i, W_neigh_i, N0 + N1)
    new_h0 = h0 * KEEP_BETA + nz[:N0] * CROSS_BETA
    new_h1 = h1 * KEEP_BETA + nz[N0:] * CROSS_BETA
    # 3) residual_when_same_shape with stem/branch betas
    out0 = x0 * STEM_BETA + new_h0 * BRANCH_BETA
    out1 = x1 * STEM_BETA + new_h1 * BRANCH_BETA
    return (out0, out1)

if __name__ == "__main__":
    import jax
    _d = setup_inputs()
    print(jax.jit(kernel)(*tuple(_d.values())))

</pallas_src>

<mosaic_0001>
#map = affine_map<(d0, d1) -> (0, 0)>
#map1 = affine_map<(d0, d1) -> (0)>
module attributes {stable_mosaic.version = 14 : i64} {
  func.func @_sc_seg_body(%arg0: i32, %arg1: i32, %arg2: memref<13000x128xf32, #tpu.memory_space<hbm>>, %arg3: memref<362496xi32, #tpu.memory_space<hbm>>, %arg4: memref<362496xi32, #tpu.memory_space<hbm>>, %arg5: memref<784x128xf32, #tpu.memory_space<hbm>>, %arg6: memref<1024xf32, #tpu.memory_space<hbm>>, %arg7: memref<128xf32, #tpu.memory_space<hbm>>, %arg8: memref<26000x128xf32, #tpu.memory_space<hbm>>, %arg9: memref<25088xf32, #tpu.memory_space<hbm>>, %arg10: memref<64xi32, #tpu.memory_space<vmem>>, %arg11: memref<64xi32, #tpu.memory_space<vmem>>, %arg12: memref<64xi32, #tpu.memory_space<vmem>>, %arg13: memref<64xi32, #tpu.memory_space<vmem>>, %arg14: memref<64xi32, #tpu.memory_space<vmem>>, %arg15: memref<64xi32, #tpu.memory_space<vmem>>, %arg16: memref<64x128xf32, #tpu.memory_space<vmem>>, %arg17: memref<64x128xf32, #tpu.memory_space<vmem>>, %arg18: memref<64x128xf32, #tpu.memory_space<vmem>>, %arg19: memref<64xf32, #tpu.memory_space<vmem>>, %arg20: memref<12512x128xf32, #tpu.memory_space<vmem_shared>>, %arg21: memref<12544xf32, #tpu.memory_space<vmem_shared>>, %arg22: memref<!tpu.dma_semaphore, #tpu.memory_space<semaphore_mem>>, %arg23: memref<!tpu.dma_semaphore, #tpu.memory_space<semaphore_mem>>, %arg24: memref<!tpu.dma_semaphore, #tpu.memory_space<semaphore_mem>>, %arg25: memref<!tpu.dma_semaphore, #tpu.memory_space<semaphore_mem>>, %arg26: memref<!tpu.dma_semaphore, #tpu.memory_space<semaphore_mem>>, %arg27: memref<!tpu.dma_semaphore, #tpu.memory_space<semaphore_mem>>, %arg28: memref<!tpu.dma_semaphore, #tpu.memory_space<semaphore_mem>>, %arg29: memref<!tpu.dma_semaphore, #tpu.memory_space<semaphore_mem>>, %arg30: memref<!tpu.dma_semaphore, #tpu.memory_space<semaphore_mem>>) attributes {dimension_semantics = [#tpu.dimension_semantics<core_parallel>, #tpu.dimension_semantics<subcore_parallel>], iteration_bounds = array<i64: 2, 16>, scalar_prefetch = 0 : i64, scratch_operands = 21 : i64, tpu.core_type = #tpu.core_type<sc_vector_subcore>, window_params = [{transform_indices = #map}, {transform_indices = #map1}, {transform_indices = #map1}, {transform_indices = #map}, {transform_indices = #map1}, {transform_indices = #map1}, {transform_indices = #map}, {transform_indices = #map1}]} {
    %mul3A = arith.constant 2 : i32
    %mul3A_0 = arith.muli %arg1, %mul3A : i32
    %add3A = arith.addi %mul3A_0, %arg0 : i32
    %mul3A_1 = arith.constant 177 : i32
    %mul3A_2 = arith.muli %add3A, %mul3A_1 : i32
    %lt3A = arith.constant 15 : i32
    %lt3A_3 = arith.cmpi slt, %arg1, %lt3A : i32
    %convert_element_type3A = arith.extui %lt3A_3 : i1 to i32
    %cond3A = arith.constant 0 : i32
    %cond3A_4 = arith.cmpi ne, %convert_element_type3A, %cond3A : i32
    scf.if %cond3A_4 {
      %mul3A_98 = arith.constant 784 : i32
      %mul3A_99 = arith.muli %arg1, %mul3A_98 : i32
      "tpu.region"() ({
        %run_scoped3A = tpu.sem_alloc : memref<!tpu.dma_semaphore, #tpu.memory_space<semaphore_mem>>
        %dma_start3A_100 = arith.constant 0 : i32
        %dma_start3A_101 = tpu.memref_slice %arg20[%mul3A_99, %dma_start3A_100] : memref<12512x128xf32, #tpu.memory_space<vmem_shared>> -> memref<784x128xf32, #tpu.memory_space<vmem_shared>>
        %dma_start3A_102 = arith.constant 0 : i32
        %dma_start3A_103 = arith.constant 0 : i32
        %dma_start3A_104 = tpu.memref_slice %arg5[%dma_start3A_102, %dma_start3A_103] : memref<784x128xf32, #tpu.memory_space<hbm>> -> memref<784x128xf32, #tpu.memory_space<hbm>>
        tpu.enqueue_dma source(%dma_start3A_104 : memref<784x128xf32, #tpu.memory_space<hbm>>) target(%dma_start3A_101 : memref<784x128xf32, #tpu.memory_space<vmem_shared>>) target_semaphore(%run_scoped3A : memref<!tpu.dma_semaphore, #tpu.memory_space<semaphore_mem>>)
        %dma_wait3A_105 = arith.constant 0 : i32
        %dma_wait3A_106 = tpu.memref_slice %arg20[%mul3A_99, %dma_wait3A_105] : memref<12512x128xf32, #tpu.memory_space<vmem_shared>> -> memref<784x128xf32, #tpu.memory_space<vmem_shared>>
        %dma_wait3A_107 = arith.constant 0 : i32
        %dma_wait3A_108 = arith.constant 0 : i32
        %dma_wait3A_109 = tpu.memref_slice %arg5[%dma_wait3A_107, %dma_wait3A_108] : memref<784x128xf32, #tpu.memory_space<hbm>> -> memref<784x128xf32, #tpu.memory_space<hbm>>
        tpu.wait_dma2 semaphore(%run_scoped3A : memref<!tpu.dma_semaphore, #tpu.memory_space<semaphore_mem>>) src(%dma_wait3A_109 : memref<784x128xf32, #tpu.memory_space<hbm>>) dst(%dma_wait3A_106 : memref<784x128xf32, #tpu.memory_space<vmem_shared>>)
        tpu.yield
      }) : () -> ()
    } else {
    }
    %eq3A = arith.constant 15 : i32
    %eq3A_5 = arith.cmpi eq, %arg1, %eq3A : i32
    %convert_element_type3A_6 = arith.extui %eq3A_5 : i1 to i32
    %cond3A_7 = arith.constant 0 : i32
    %cond3A_8 = arith.cmpi ne, %convert_element_type3A_6, %cond3A_7 : i32
    scf.if %cond3A_8 {
      "tpu.region"() ({
        %run_scoped3A = tpu.sem_alloc : memref<!tpu.dma_semaphore, #tpu.memory_space<semaphore_mem>>
        %dma_start3A_98 = arith.constant 11760 : i32
        %dma_start3A_99 = arith.constant 0 : i32
        %dma_start3A_100 = tpu.memref_slice %arg20[%dma_start3A_98, %dma_start3A_99] : memref<12512x128xf32, #tpu.memory_space<vmem_shared>> -> memref<752x128xf32, #tpu.memory_space<vmem_shared>>
        %dma_start3A_101 = arith.constant 0 : i32
        %dma_start3A_102 = arith.constant 0 : i32
        %dma_start3A_103 = tpu.memref_slice %arg5[%dma_start3A_101, %dma_start3A_102] : memref<784x128xf32, #tpu.memory_space<hbm>> -> memref<752x128xf32, #tpu.memory_space<hbm>>
        tpu.enqueue_dma source(%dma_start3A_103 : memref<752x128xf32, #tpu.memory_space<hbm>>) target(%dma_start3A_100 : memref<752x128xf32, #tpu.memory_space<vmem_shared>>) target_semaphore(%run_scoped3A : memref<!tpu.dma_semaphore, #tpu.memory_space<semaphore_mem>>)
        %dma_wait3A_104 = arith.constant 11760 : i32
        %dma_wait3A_105 = arith.constant 0 : i32
        %dma_wait3A_106 = tpu.memref_slice %arg20[%dma_wait3A_104, %dma_wait3A_105] : memref<12512x128xf32, #tpu.memory_space<vmem_shared>> -> memref<752x128xf32, #tpu.memory_space<vmem_shared>>
        %dma_wait3A_107 = arith.constant 0 : i32
        %dma_wait3A_108 = arith.constant 0 : i32
        %dma_wait3A_109 = tpu.memref_slice %arg5[%dma_wait3A_107, %dma_wait3A_108] : memref<784x128xf32, #tpu.memory_space<hbm>> -> memref<752x128xf32, #tpu.memory_space<hbm>>
        tpu.wait_dma2 semaphore(%run_scoped3A : memref<!tpu.dma_semaphore, #tpu.memory_space<semaphore_mem>>) src(%dma_wait3A_109 : memref<752x128xf32, #tpu.memory_space<hbm>>) dst(%dma_wait3A_106 : memref<752x128xf32, #tpu.memory_space<vmem_shared>>)
        tpu.yield
      }) : () -> ()
    } else {
    }
    %lt3A_9 = arith.constant 15 : i32
    %lt3A_10 = arith.cmpi slt, %arg1, %lt3A_9 : i32
    %convert_element_type3A_11 = arith.extui %lt3A_10 : i1 to i32
    %cond3A_12 = arith.constant 0 : i32
    %cond3A_13 = arith.cmpi ne, %convert_element_type3A_11, %cond3A_12 : i32
    scf.if %cond3A_13 {
      %mul3A_98 = arith.constant 768 : i32
      %mul3A_99 = arith.muli %arg1, %mul3A_98 : i32
      "tpu.region"() ({
        %run_scoped3A = tpu.sem_alloc : memref<!tpu.dma_semaphore, #tpu.memory_space<semaphore_mem>>
        %dma_start3A_100 = tpu.memref_slice %arg21[%mul3A_99] : memref<12544xf32, #tpu.memory_space<vmem_shared>> -> memref<768xf32, #tpu.memory_space<vmem_shared>>
        %dma_start3A_101 = arith.constant 0 : i32
        %dma_start3A_102 = tpu.memref_slice %arg6[%dma_start3A_101] : memref<1024xf32, #tpu.memory_space<hbm>> -> memref<768xf32, #tpu.memory_space<hbm>>
        tpu.enqueue_dma source(%dma_start3A_102 : memref<768xf32, #tpu.memory_space<hbm>>) target(%dma_start3A_100 : memref<768xf32, #tpu.memory_space<vmem_shared>>) target_semaphore(%run_scoped3A : memref<!tpu.dma_semaphore, #tpu.memory_space<semaphore_mem>>)
        %dma_wait3A_103 = tpu.memref_slice %arg21[%mul3A_99] : memref<12544xf32, #tpu.memory_space<vmem_shared>> -> memref<768xf32, #tpu.memory_space<vmem_shared>>
        %dma_wait3A_104 = arith.constant 0 : i32
        %dma_wait3A_105 = tpu.memref_slice %arg6[%dma_wait3A_104] : memref<1024xf32, #tpu.memory_space<hbm>> -> memref<768xf32, #tpu.memory_space<hbm>>
        tpu.wait_dma2 semaphore(%run_scoped3A : memref<!tpu.dma_semaphore, #tpu.memory_space<semaphore_mem>>) src(%dma_wait3A_105 : memref<768xf32, #tpu.memory_space<hbm>>) dst(%dma_wait3A_103 : memref<768xf32, #tpu.memory_space<vmem_shared>>)
        tpu.yield
      }) : () -> ()
    } else {
    }
    %eq3A_14 = arith.constant 15 : i32
    %eq3A_15 = arith.cmpi eq, %arg1, %eq3A_14 : i32
    %convert_element_type3A_16 = arith.extui %eq3A_15 : i1 to i32
    %cond3A_17 = arith.constant 0 : i32
    %cond3A_18 = arith.cmpi ne, %convert_element_type3A_16, %cond3A_17 : i32
    scf.if %cond3A_18 {
      "tpu.region"() ({
        %run_scoped3A = tpu.sem_alloc : memref<!tpu.dma_semaphore, #tpu.memory_space<semaphore_mem>>
        %dma_start3A_98 = arith.constant 11520 : i32
        %dma_start3A_99 = tpu.memref_slice %arg21[%dma_start3A_98] : memref<12544xf32, #tpu.memory_space<vmem_shared>> -> memref<1024xf32, #tpu.memory_space<vmem_shared>>
        %dma_start3A_100 = arith.constant 0 : i32
        %dma_start3A_101 = tpu.memref_slice %arg6[%dma_start3A_100] : memref<1024xf32, #tpu.memory_space<hbm>> -> memref<1024xf32, #tpu.memory_space<hbm>>
        tpu.enqueue_dma source(%dma_start3A_101 : memref<1024xf32, #tpu.memory_space<hbm>>) target(%dma_start3A_99 : memref<1024xf32, #tpu.memory_space<vmem_shared>>) target_semaphore(%run_scoped3A : memref<!tpu.dma_semaphore, #tpu.memory_space<semaphore_mem>>)
        %dma_wait3A_102 = arith.constant 11520 : i32
        %dma_wait3A_103 = tpu.memref_slice %arg21[%dma_wait3A_102] : memref<12544xf32, #tpu.memory_space<vmem_shared>> -> memref<1024xf32, #tpu.memory_space<vmem_shared>>
        %dma_wait3A_104 = arith.constant 0 : i32
        %dma_wait3A_105 = tpu.memref_slice %arg6[%dma_wait3A_104] : memref<1024xf32, #tpu.memory_space<hbm>> -> memref<1024xf32, #tpu.memory_space<hbm>>
        tpu.wait_dma2 semaphore(%run_scoped3A : memref<!tpu.dma_semaphore, #tpu.memory_space<semaphore_mem>>) src(%dma_wait3A_105 : memref<1024xf32, #tpu.memory_space<hbm>>) dst(%dma_wait3A_103 : memref<1024xf32, #tpu.memory_space<vmem_shared>>)
        tpu.yield
      }) : () -> ()
    } else {
    }
    "tpu.region"() ({
      %run_scoped3A = tpu.sem_alloc : memref<!tpu.dma_semaphore, #tpu.memory_space<semaphore_mem>>
      %dma_start3A_98 = arith.constant 0 : i32
      %dma_start3A_99 = tpu.memref_slice %arg7[%dma_start3A_98] : memref<128xf32, #tpu.memory_space<hbm>> -> memref<64xf32, #tpu.memory_space<hbm>>
      %dma_start3A_100 = arith.constant 0 : i32
      %dma_start3A_101 = tpu.memref_slice %arg7[%dma_start3A_100] : memref<128xf32, #tpu.memory_space<hbm>> -> memref<64xf32, #tpu.memory_space<hbm>>
      tpu.enqueue_dma source(%dma_start3A_101 : memref<64xf32, #tpu.memory_space<hbm>>) target(%arg19 : memref<64xf32, #tpu.memory_space<vmem>>) target_semaphore(%run_scoped3A : memref<!tpu.dma_semaphore, #tpu.memory_space<semaphore_mem>>)
      %dma_wait3A_102 = arith.constant 0 : i32
      %dma_wait3A_103 = tpu.memref_slice %arg7[%dma_wait3A_102] : memref<128xf32, #tpu.memory_space<hbm>> -> memref<64xf32, #tpu.memory_space<hbm>>
      %dma_wait3A_104 = arith.constant 0 : i32
      %dma_wait3A_105 = tpu.memref_slice %arg7[%dma_wait3A_104] : memref<128xf32, #tpu.memory_space<hbm>> -> memref<64xf32, #tpu.memory_space<hbm>>
      tpu.wait_dma2 semaphore(%run_scoped3A : memref<!tpu.dma_semaphore, #tpu.memory_space<semaphore_mem>>) src(%dma_wait3A_105 : memref<64xf32, #tpu.memory_space<hbm>>) dst(%arg19 : memref<64xf32, #tpu.memory_space<vmem>>)
      tpu.yield
    }) : () -> ()
    %barrier3A = arith.constant 0 : index
    tpu.barrier barrier_id(%barrier3A)
    %add3A_19 = arith.constant 0 : i32
    %add3A_20 = arith.addi %mul3A_2, %add3A_19 : i32
    %mul3A_21 = arith.constant 64 : i32
    %mul3A_22 = arith.muli %add3A_20, %mul3A_21 : i32
    %dma_start3A = tpu.memref_slice %arg3[%mul3A_22] : memref<362496xi32, #tpu.memory_space<hbm>> -> memref<64xi32, #tpu.memory_space<hbm>>
    %dma_start3A_23 = tpu.memref_slice %arg3[%mul3A_22] : memref<362496xi32, #tpu.memory_space<hbm>> -> memref<64xi32, #tpu.memory_space<hbm>>
    tpu.enqueue_dma source(%dma_start3A_23 : memref<64xi32, #tpu.memory_space<hbm>>) target(%arg10 : memref<64xi32, #tpu.memory_space<vmem>>) target_semaphore(%arg28 : memref<!tpu.dma_semaphore, #tpu.memory_space<semaphore_mem>>)
    %add3A_24 = arith.constant 0 : i32
    %add3A_25 = arith.addi %mul3A_2, %add3A_24 : i32
    %mul3A_26 = arith.constant 64 : i32
    %mul3A_27 = arith.muli %add3A_25, %mul3A_26 : i32
    %dma_start3A_28 = tpu.memref_slice %arg4[%mul3A_27] : memref<362496xi32, #tpu.memory_space<hbm>> -> memref<64xi32, #tpu.memory_space<hbm>>
    %dma_start3A_29 = tpu.memref_slice %arg4[%mul3A_27] : memref<362496xi32, #tpu.memory_space<hbm>> -> memref<64xi32, #tpu.memory_space<hbm>>
    tpu.enqueue_dma source(%dma_start3A_29 : memref<64xi32, #tpu.memory_space<hbm>>) target(%arg13 : memref<64xi32, #tpu.memory_space<vmem>>) target_semaphore(%arg28 : memref<!tpu.dma_semaphore, #tpu.memory_space<semaphore_mem>>)
    %add3A_30 = arith.constant 1 : i32
    %add3A_31 = arith.addi %mul3A_2, %add3A_30 : i32
    %mul3A_32 = arith.constant 64 : i32
    %mul3A_33 = arith.muli %add3A_31, %mul3A_32 : i32
    %dma_start3A_34 = tpu.memref_slice %arg3[%mul3A_33] : memref<362496xi32, #tpu.memory_space<hbm>> -> memref<64xi32, #tpu.memory_space<hbm>>
    %dma_start3A_35 = tpu.memref_slice %arg3[%mul3A_33] : memref<362496xi32, #tpu.memory_space<hbm>> -> memref<64xi32, #tpu.memory_space<hbm>>
    tpu.enqueue_dma source(%dma_start3A_35 : memref<64xi32, #tpu.memory_space<hbm>>) target(%arg11 : memref<64xi32, #tpu.memory_space<vmem>>) target_semaphore(%arg29 : memref<!tpu.dma_semaphore, #tpu.memory_space<semaphore_mem>>)
    %add3A_36 = arith.constant 1 : i32
    %add3A_37 = arith.addi %mul3A_2, %add3A_36 : i32
    %mul3A_38 = arith.constant 64 : i32
    %mul3A_39 = arith.muli %add3A_37, %mul3A_38 : i32
    %dma_start3A_40 = tpu.memref_slice %arg4[%mul3A_39] : memref<362496xi32, #tpu.memory_space<hbm>> -> memref<64xi32, #tpu.memory_space<hbm>>
    %dma_start3A_41 = tpu.memref_slice %arg4[%mul3A_39] : memref<362496xi32, #tpu.memory_space<hbm>> -> memref<64xi32, #tpu.memory_space<hbm>>
    tpu.enqueue_dma source(%dma_start3A_41 : memref<64xi32, #tpu.memory_space<hbm>>) target(%arg14 : memref<64xi32, #tpu.memory_space<vmem>>) target_semaphore(%arg29 : memref<!tpu.dma_semaphore, #tpu.memory_space<semaphore_mem>>)
    %dma_wait3A = arith.constant 0 : i32
    %dma_wait3A_42 = tpu.memref_slice %arg3[%dma_wait3A] : memref<362496xi32, #tpu.memory_space<hbm>> -> memref<64xi32, #tpu.memory_space<hbm>>
    %dma_wait3A_43 = arith.constant 0 : i32
    %dma_wait3A_44 = tpu.memref_slice %arg3[%dma_wait3A_43] : memref<362496xi32, #tpu.memory_space<hbm>> -> memref<64xi32, #tpu.memory_space<hbm>>
    tpu.wait_dma2 semaphore(%arg28 : memref<!tpu.dma_semaphore, #tpu.memory_space<semaphore_mem>>) src(%dma_wait3A_44 : memref<64xi32, #tpu.memory_space<hbm>>) dst(%arg10 : memref<64xi32, #tpu.memory_space<vmem>>)
    %dma_wait3A_45 = arith.constant 0 : i32
    %dma_wait3A_46 = tpu.memref_slice %arg4[%dma_wait3A_45] : memref<362496xi32, #tpu.memory_space<hbm>> -> memref<64xi32, #tpu.memory_space<hbm>>
    %dma_wait3A_47 = arith.constant 0 : i32
    %dma_wait3A_48 = tpu.memref_slice %arg4[%dma_wait3A_47] : memref<362496xi32, #tpu.memory_space<hbm>> -> memref<64xi32, #tpu.memory_space<hbm>>
    tpu.wait_dma2 semaphore(%arg28 : memref<!tpu.dma_semaphore, #tpu.memory_space<semaphore_mem>>) src(%dma_wait3A_48 : memref<64xi32, #tpu.memory_space<hbm>>) dst(%arg13 : memref<64xi32, #tpu.memory_space<vmem>>)
    %dma_start3A_49 = arith.constant 0 : i32
    %dma_start3A_50 = arith.constant 0 : i32
    %dma_start3A_51 = tpu.memref_slice %arg2[%dma_start3A_49, %dma_start3A_50] : memref<13000x128xf32, #tpu.memory_space<hbm>> -> memref<13000x128xf32, #tpu.memory_space<hbm>>
    tpu.enqueue_indirect_dma source(%dma_start3A_51 : memref<13000x128xf32, #tpu.memory_space<hbm>>) target(%arg16 : memref<64x128xf32, #tpu.memory_space<vmem>>) offsets(%arg10 : memref<64xi32, #tpu.memory_space<vmem>>) semaphore(%arg22 : memref<!tpu.dma_semaphore, #tpu.memory_space<semaphore_mem>>)
    %scan3A = arith.constant 0 : i32
    %scan3A_52 = arith.constant 0 : i32
    %scan3A_53 = arith.constant 59 : i32
    %scan3A_54 = arith.addi %scan3A_52, %scan3A_53 : i32
    %scan3A_55 = arith.constant 1 : i32
    scf.for %scan3A_98 = %scan3A_52 to %scan3A_54 step %scan3A_55  : i32 {
      %mul3A_99 = arith.constant 3 : i32
      %mul3A_100 = arith.muli %mul3A_99, %scan3A_98 : i32
      %dma_wait3A_101 = arith.constant 0 : i32
      %dma_wait3A_102 = arith.constant 0 : i32
      %dma_wait3A_103 = tpu.memref_slice %arg2[%dma_wait3A_101, %dma_wait3A_102] : memref<13000x128xf32, #tpu.memory_space<hbm>> -> memref<64x128xf32, #tpu.memory_space<hbm>>
      %dma_wait3A_104 = arith.constant 0 : i32
      %dma_wait3A_105 = arith.constant 0 : i32
      %dma_wait3A_106 = tpu.memref_slice %arg2[%dma_wait3A_104, %dma_wait3A_105] : memref<13000x128xf32, #tpu.memory_space<hbm>> -> memref<64x128xf32, #tpu.memory_space<hbm>>
      tpu.wait_dma2 semaphore(%arg22 : memref<!tpu.dma_semaphore, #tpu.memory_space<semaphore_mem>>) src(%dma_wait3A_106 : memref<64x128xf32, #tpu.memory_space<hbm>>) dst(%arg16 : memref<64x128xf32, #tpu.memory_space<vmem>>)
      %dma_start3A_107 = arith.constant 0 : i32
      %dma_start3A_108 = arith.constant 0 : i32
      %dma_start3A_109 = tpu.memref_slice %arg20[%dma_start3A_107, %dma_start3A_108] : memref<12512x128xf32, #tpu.memory_space<vmem_shared>> -> memref<12512x128xf32, #tpu.memory_space<vmem_shared>>
      tpu.enqueue_indirect_dma source(%arg16 : memref<64x128xf32, #tpu.memory_space<vmem>>) target(%dma_start3A_109 : memref<12512x128xf32, #tpu.memory_space<vmem_shared>>) offsets(%arg13 : memref<64xi32, #tpu.memory_space<vmem>>) semaphore(%arg25 : memref<!tpu.dma_semaphore, #tpu.memory_space<semaphore_mem>>) {add = true}
      %dma_start3A_110 = arith.constant 0 : i32
      %dma_start3A_111 = tpu.memref_slice %arg21[%dma_start3A_110] : memref<12544xf32, #tpu.memory_space<vmem_shared>> -> memref<12544xf32, #tpu.memory_space<vmem_shared>>
      tpu.enqueue_indirect_dma source(%arg19 : memref<64xf32, #tpu.memory_space<vmem>>) target(%dma_start3A_111 : memref<12544xf32, #tpu.memory_space<vmem_shared>>) offsets(%arg13 : memref<64xi32, #tpu.memory_space<vmem>>) semaphore(%arg25 : memref<!tpu.dma_semaphore, #tpu.memory_space<semaphore_mem>>) {add = true}
      %ge3A = arith.constant 1 : i32
      %ge3A_112 = arith.cmpi sge, %mul3A_100, %ge3A : i32
      %convert_element_type3A_113 = arith.extui %ge3A_112 : i1 to i32
      %cond3A_114 = arith.constant 0 : i32
      %cond3A_115 = arith.cmpi ne, %convert_element_type3A_113, %cond3A_114 : i32
      scf.if %cond3A_115 {
        %dma_wait3A_194 = arith.constant 0 : i32
        %dma_wait3A_195 = arith.constant 0 : i32
        %dma_wait3A_196 = tpu.memref_slice %arg2[%dma_wait3A_194, %dma_wait3A_195] : memref<13000x128xf32, #tpu.memory_space<hbm>> -> memref<64x128xf32, #tpu.memory_space<hbm>>
        %dma_wait3A_197 = arith.constant 0 : i32
        %dma_wait3A_198 = arith.constant 0 : i32
        %dma_wait3A_199 = tpu.memref_slice %arg2[%dma_wait3A_197, %dma_wait3A_198] : memref<13000x128xf32, #tpu.memory_space<hbm>> -> memref<64x128xf32, #tpu.memory_space<hbm>>
        tpu.wait_dma2 semaphore(%arg27 : memref<!tpu.dma_semaphore, #tpu.memory_space<semaphore_mem>>) src(%dma_wait3A_199 : memref<64x128xf32, #tpu.memory_space<hbm>>) dst(%arg18 : memref<64x128xf32, #tpu.memory_space<vmem>>)
        %dma_wait3A_200 = arith.constant 0 : i32
        %dma_wait3A_201 = tpu.memref_slice %arg7[%dma_wait3A_200] : memref<128xf32, #tpu.memory_space<hbm>> -> memref<64xf32, #tpu.memory_space<hbm>>
        %dma_wait3A_202 = arith.constant 0 : i32
        %dma_wait3A_203 = tpu.memref_slice %arg7[%dma_wait3A_202] : memref<128xf32, #tpu.memory_space<hbm>> -> memref<64xf32, #tpu.memory_space<hbm>>
        tpu.wait_dma2 semaphore(%arg27 : memref<!tpu.dma_semaphore, #tpu.memory_space<semaphore_mem>>) src(%dma_wait3A_203 : memref<64xf32, #tpu.memory_space<hbm>>) dst(%arg19 : memref<64xf32, #tpu.memory_space<vmem>>)
      } else {
      }
      %add3A_116 = arith.constant 2 : i32
      %add3A_117 = arith.addi %mul3A_100, %add3A_116 : i32
      %lt3A_118 = arith.constant 177 : i32
      %lt3A_119 = arith.cmpi slt, %add3A_117, %lt3A_118 : i32
      %convert_element_type3A_120 = arith.extui %lt3A_119 : i1 to i32
      %cond3A_121 = arith.constant 0 : i32
      %cond3A_122 = arith.cmpi ne, %convert_element_type3A_120, %cond3A_121 : i32
      scf.if %cond3A_122 {
        %add3A_194 = arith.constant 2 : i32
        %add3A_195 = arith.addi %mul3A_100, %add3A_194 : i32
        %add3A_196 = arith.addi %mul3A_2, %add3A_195 : i32
        %mul3A_197 = arith.constant 64 : i32
        %mul3A_198 = arith.muli %add3A_196, %mul3A_197 : i32
        %dma_start3A_199 = tpu.memref_slice %arg3[%mul3A_198] : memref<362496xi32, #tpu.memory_space<hbm>> -> memref<64xi32, #tpu.memory_space<hbm>>
        %dma_start3A_200 = tpu.memref_slice %arg3[%mul3A_198] : memref<362496xi32, #tpu.memory_space<hbm>> -> memref<64xi32, #tpu.memory_space<hbm>>
        tpu.enqueue_dma source(%dma_start3A_200 : memref<64xi32, #tpu.memory_space<hbm>>) target(%arg12 : memref<64xi32, #tpu.memory_space<vmem>>) target_semaphore(%arg30 : memref<!tpu.dma_semaphore, #tpu.memory_space<semaphore_mem>>)
        %add3A_201 = arith.addi %mul3A_2, %add3A_195 : i32
        %mul3A_202 = arith.constant 64 : i32
        %mul3A_203 = arith.muli %add3A_201, %mul3A_202 : i32
        %dma_start3A_204 = tpu.memref_slice %arg4[%mul3A_203] : memref<362496xi32, #tpu.memory_space<hbm>> -> memref<64xi32, #tpu.memory_space<hbm>>
        %dma_start3A_205 = tpu.memref_slice %arg4[%mul3A_203] : memref<362496xi32, #tpu.memory_space<hbm>> -> memref<64xi32, #tpu.memory_space<hbm>>
        tpu.enqueue_dma source(%dma_start3A_205 : memref<64xi32, #tpu.memory_space<hbm>>) target(%arg15 : memref<64xi32, #tpu.memory_space<vmem>>) target_semaphore(%arg30 : memref<!tpu.dma_semaphore, #tpu.memory_space<semaphore_mem>>)
      } else {
      }
      %add3A_123 = arith.constant 1 : i32
      %add3A_124 = arith.addi %mul3A_100, %add3A_123 : i32
      %lt3A_125 = arith.constant 177 : i32
      %lt3A_126 = arith.cmpi slt, %add3A_124, %lt3A_125 : i32
      %convert_element_type3A_127 = arith.extui %lt3A_126 : i1 to i32
      %cond3A_128 = arith.constant 0 : i32
      %cond3A_129 = arith.cmpi ne, %convert_element_type3A_127, %cond3A_128 : i32
      scf.if %cond3A_129 {
        %dma_wait3A_194 = arith.constant 0 : i32
        %dma_wait3A_195 = tpu.memref_slice %arg3[%dma_wait3A_194] : memref<362496xi32, #tpu.memory_space<hbm>> -> memref<64xi32, #tpu.memory_space<hbm>>
        %dma_wait3A_196 = arith.constant 0 : i32
        %dma_wait3A_197 = tpu.memref_slice %arg3[%dma_wait3A_196] : memref<362496xi32, #tpu.memory_space<hbm>> -> memref<64xi32, #tpu.memory_space<hbm>>
        tpu.wait_dma2 semaphore(%arg29 : memref<!tpu.dma_semaphore, #tpu.memory_space<semaphore_mem>>) src(%dma_wait3A_197 : memref<64xi32, #tpu.memory_space<hbm>>) dst(%arg11 : memref<64xi32, #tpu.memory_space<vmem>>)
        %dma_wait3A_198 = arith.constant 0 : i32
        %dma_wait3A_199 = tpu.memref_slice %arg4[%dma_wait3A_198] : memref<362496xi32, #tpu.memory_space<hbm>> -> memref<64xi32, #tpu.memory_space<hbm>>
        %dma_wait3A_200 = arith.constant 0 : i32
        %dma_wait3A_201 = tpu.memref_slice %arg4[%dma_wait3A_200] : memref<362496xi32, #tpu.memory_space<hbm>> -> memref<64xi32, #tpu.memory_space<hbm>>
        tpu.wait_dma2 semaphore(%arg29 : memref<!tpu.dma_semaphore, #tpu.memory_space<semaphore_mem>>) src(%dma_wait3A_201 : memref<64xi32, #tpu.memory_space<hbm>>) dst(%arg14 : memref<64xi32, #tpu.memory_space<vmem>>)
        %dma_start3A_202 = arith.constant 0 : i32
        %dma_start3A_203 = arith.constant 0 : i32
        %dma_start3A_204 = tpu.memref_slice %arg2[%dma_start3A_202, %dma_start3A_203] : memref<13000x128xf32, #tpu.memory_space<hbm>> -> memref<13000x128xf32, #tpu.memory_space<hbm>>
        tpu.enqueue_indirect_dma source(%dma_start3A_204 : memref<13000x128xf32, #tpu.memory_space<hbm>>) target(%arg17 : memref<64x128xf32, #tpu.memory_space<vmem>>) offsets(%arg11 : memref<64xi32, #tpu.memory_space<vmem>>) semaphore(%arg23 : memref<!tpu.dma_semaphore, #tpu.memory_space<semaphore_mem>>)
      } else {
      }
      %add3A_130 = arith.constant 1 : i32
      %add3A_131 = arith.addi %mul3A_100, %add3A_130 : i32
      %dma_wait3A_132 = arith.constant 0 : i32
      %dma_wait3A_133 = arith.constant 0 : i32
      %dma_wait3A_134 = tpu.memref_slice %arg2[%dma_wait3A_132, %dma_wait3A_133] : memref<13000x128xf32, #tpu.memory_space<hbm>> -> memref<64x128xf32, #tpu.memory_space<hbm>>
      %dma_wait3A_135 = arith.constant 0 : i32
      %dma_wait3A_136 = arith.constant 0 : i32
      %dma_wait3A_137 = tpu.memref_slice %arg2[%dma_wait3A_135, %dma_wait3A_136] : memref<13000x128xf32, #tpu.memory_space<hbm>> -> memref<64x128xf32, #tpu.memory_space<hbm>>
      tpu.wait_dma2 semaphore(%arg23 : memref<!tpu.dma_semaphore, #tpu.memory_space<semaphore_mem>>) src(%dma_wait3A_137 : memref<64x128xf32, #tpu.memory_space<hbm>>) dst(%arg17 : memref<64x128xf32, #tpu.memory_space<vmem>>)
      %dma_start3A_138 = arith.constant 0 : i32
      %dma_start3A_139 = arith.constant 0 : i32
      %dma_start3A_140 = tpu.memref_slice %arg20[%dma_start3A_138, %dma_start3A_139] : memref<12512x128xf32, #tpu.memory_space<vmem_shared>> -> memref<12512x128xf32, #tpu.memory_space<vmem_shared>>
      tpu.enqueue_indirect_dma source(%arg17 : memref<64x128xf32, #tpu.memory_space<vmem>>) target(%dma_start3A_140 : memref<12512x128xf32, #tpu.memory_space<vmem_shared>>) offsets(%arg14 : memref<64xi32, #tpu.memory_space<vmem>>) semaphore(%arg26 : memref<!tpu.dma_semaphore, #tpu.memory_space<semaphore_mem>>) {add = true}
      %dma_start3A_141 = arith.constant 0 : i32
      %dma_start3A_142 = tpu.memref_slice %arg21[%dma_start3A_141] : memref<12544xf32, #tpu.memory_space<vmem_shared>> -> memref<12544xf32, #tpu.memory_space<vmem_shared>>
      tpu.enqueue_indirect_dma source(%arg19 : memref<64xf32, #tpu.memory_space<vmem>>) target(%dma_start3A_142 : memref<12544xf32, #tpu.memory_space<vmem_shared>>) offsets(%arg14 : memref<64xi32, #tpu.memory_space<vmem>>) semaphore(%arg26 : memref<!tpu.dma_semaphore, #tpu.memory_space<semaphore_mem>>) {add = true}
      %ge3A_143 = arith.constant 1 : i32
      %ge3A_144 = arith.cmpi sge, %add3A_131, %ge3A_143 : i32
      %convert_element_type3A_145 = arith.extui %ge3A_144 : i1 to i32
      %cond3A_146 = arith.constant 0 : i32
      %cond3A_147 = arith.cmpi ne, %convert_element_type3A_145, %cond3A_146 : i32
      scf.if %cond3A_147 {
        %dma_wait3A_194 = arith.constant 0 : i32
        %dma_wait3A_195 = arith.constant 0 : i32
        %dma_wait3A_196 = tpu.memref_slice %arg2[%dma_wait3A_194, %dma_wait3A_195] : memref<13000x128xf32, #tpu.memory_space<hbm>> -> memref<64x128xf32, #tpu.memory_space<hbm>>
        %dma_wait3A_197 = arith.constant 0 : i32
        %dma_wait3A_198 = arith.constant 0 : i32
        %dma_wait3A_199 = tpu.memref_slice %arg2[%dma_wait3A_197, %dma_wait3A_198] : memref<13000x128xf32, #tpu.memory_space<hbm>> -> memref<64x128xf32, #tpu.memory_space<hbm>>
        tpu.wait_dma2 semaphore(%arg25 : memref<!tpu.dma_semaphore, #tpu.memory_space<semaphore_mem>>) src(%dma_wait3A_199 : memref<64x128xf32, #tpu.memory_space<hbm>>) dst(%arg16 : memref<64x128xf32, #tpu.memory_space<vmem>>)
        %dma_wait3A_200 = arith.constant 0 : i32
        %dma_wait3A_201 = tpu.memref_slice %arg7[%dma_wait3A_200] : memref<128xf32, #tpu.memory_space<hbm>> -> memref<64xf32, #tpu.memory_space<hbm>>
        %dma_wait3A_202 = arith.constant 0 : i32
        %dma_wait3A_203 = tpu.memref_slice %arg7[%dma_wait3A_202] : memref<128xf32, #tpu.memory_space<hbm>> -> memref<64xf32, #tpu.memory_space<hbm>>
        tpu.wait_dma2 semaphore(%arg25 : memref<!tpu.dma_semaphore, #tpu.memory_space<semaphore_mem>>) src(%dma_wait3A_203 : memref<64xf32, #tpu.memory_space<hbm>>) dst(%arg19 : memref<64xf32, #tpu.memory_space<vmem>>)
      } else {
      }
      %add3A_148 = arith.constant 2 : i32
      %add3A_149 = arith.addi %add3A_131, %add3A_148 : i32
      %lt3A_150 = arith.constant 177 : i32
      %lt3A_151 = arith.cmpi slt, %add3A_149, %lt3A_150 : i32
      %convert_element_type3A_152 = arith.extui %lt3A_151 : i1 to i32
      %cond3A_153 = arith.constant 0 : i32
      %cond3A_154 = arith.cmpi ne, %convert_element_type3A_152, %cond3A_153 : i32
      scf.if %cond3A_154 {
        %add3A_194 = arith.constant 2 : i32
        %add3A_195 = arith.addi %add3A_131, %add3A_194 : i32
        %add3A_196 = arith.addi %mul3A_2, %add3A_195 : i32
        %mul3A_197 = arith.constant 64 : i32
        %mul3A_198 = arith.muli %add3A_196, %mul3A_197 : i32
        %dma_start3A_199 = tpu.memref_slice %arg3[%mul3A_198] : memref<362496xi32, #tpu.memory_space<hbm>> -> memref<64xi32, #tpu.memory_space<hbm>>
        %dma_start3A_200 = tpu.memref_slice %arg3[%mul3A_198] : memref<362496xi32, #tpu.memory_space<hbm>> -> memref<64xi32, #tpu.memory_space<hbm>>
        tpu.enqueue_dma source(%dma_start3A_200 : memref<64xi32, #tpu.memory_space<hbm>>) target(%arg10 : memref<64xi32, #tpu.memory_space<vmem>>) target_semaphore(%arg28 : memref<!tpu.dma_semaphore, #tpu.memory_space<semaphore_mem>>)
        %add3A_201 = arith.addi %mul3A_2, %add3A_195 : i32
        %mul3A_202 = arith.constant 64 : i32
        %mul3A_203 = arith.muli %add3A_201, %mul3A_202 : i32
        %dma_start3A_204 = tpu.memref_slice %arg4[%mul3A_203] : memref<362496xi32, #tpu.memory_space<hbm>> -> memref<64xi32, #tpu.memory_space<hbm>>
        %dma_start3A_205 = tpu.memref_slice %arg4[%mul3A_203] : memref<362496xi32, #tpu.memory_space<hbm>> -> memref<64xi32, #tpu.memory_space<hbm>>
        tpu.enqueue_dma source(%dma_start3A_205 : memref<64xi32, #tpu.memory_space<hbm>>) target(%arg13 : memref<64xi32, #tpu.memory_space<vmem>>) target_semaphore(%arg28 : memref<!tpu.dma_semaphore, #tpu.memory_space<semaphore_mem>>)
      } else {
      }
      %add3A_155 = arith.constant 1 : i32
      %add3A_156 = arith.addi %add3A_131, %add3A_155 : i32
      %lt3A_157 = arith.constant 177 : i32
      %lt3A_158 = arith.cmpi slt, %add3A_156, %lt3A_157 : i32
      %convert_element_type3A_159 = arith.extui %lt3A_158 : i1 to i32
      %cond3A_160 = arith.constant 0 : i32
      %cond3A_161 = arith.cmpi ne, %convert_element_type3A_159, %cond3A_160 : i32
      scf.if %cond3A_161 {
        %dma_wait3A_194 = arith.constant 0 : i32
        %dma_wait3A_195 = tpu.memref_slice %arg3[%dma_wait3A_194] : memref<362496xi32, #tpu.memory_space<hbm>> -> memref<64xi32, #tpu.memory_space<hbm>>
        %dma_wait3A_196 = arith.constant 0 : i32
        %dma_wait3A_197 = tpu.memref_slice %arg3[%dma_wait3A_196] : memref<362496xi32, #tpu.memory_space<hbm>> -> memref<64xi32, #tpu.memory_space<hbm>>
        tpu.wait_dma2 semaphore(%arg30 : memref<!tpu.dma_semaphore, #tpu.memory_space<semaphore_mem>>) src(%dma_wait3A_197 : memref<64xi32, #tpu.memory_space<hbm>>) dst(%arg12 : memref<64xi32, #tpu.memory_space<vmem>>)
        %dma_wait3A_198 = arith.constant 0 : i32
        %dma_wait3A_199 = tpu.memref_slice %arg4[%dma_wait3A_198] : memref<362496xi32, #tpu.memory_space<hbm>> -> memref<64xi32, #tpu.memory_space<hbm>>
        %dma_wait3A_200 = arith.constant 0 : i32
        %dma_wait3A_201 = tpu.memref_slice %arg4[%dma_wait3A_200] : memref<362496xi32, #tpu.memory_space<hbm>> -> memref<64xi32, #tpu.memory_space<hbm>>
        tpu.wait_dma2 semaphore(%arg30 : memref<!tpu.dma_semaphore, #tpu.memory_space<semaphore_mem>>) src(%dma_wait3A_201 : memref<64xi32, #tpu.memory_space<hbm>>) dst(%arg15 : memref<64xi32, #tpu.memory_space<vmem>>)
        %dma_start3A_202 = arith.constant 0 : i32
        %dma_start3A_203 = arith.constant 0 : i32
        %dma_start3A_204 = tpu.memref_slice %arg2[%dma_start3A_202, %dma_start3A_203] : memref<13000x128xf32, #tpu.memory_space<hbm>> -> memref<13000x128xf32, #tpu.memory_space<hbm>>
        tpu.enqueue_indirect_dma source(%dma_start3A_204 : memref<13000x128xf32, #tpu.memory_space<hbm>>) target(%arg18 : memref<64x128xf32, #tpu.memory_space<vmem>>) offsets(%arg12 : memref<64xi32, #tpu.memory_space<vmem>>) semaphore(%arg24 : memref<!tpu.dma_semaphore, #tpu.memory_space<semaphore_mem>>)
      } else {
      }
      %add3A_162 = arith.constant 2 : i32
      %add3A_163 = arith.addi %mul3A_100, %add3A_162 : i32
      %dma_wait3A_164 = arith.constant 0 : i32
      %dma_wait3A_165 = arith.constant 0 : i32
      %dma_wait3A_166 = tpu.memref_slice %arg2[%dma_wait3A_164, %dma_wait3A_165] : memref<13000x128xf32, #tpu.memory_space<hbm>> -> memref<64x128xf32, #tpu.memory_space<hbm>>
      %dma_wait3A_167 = arith.constant 0 : i32
      %dma_wait3A_168 = arith.constant 0 : i32
      %dma_wait3A_169 = tpu.memref_slice %arg2[%dma_wait3A_167, %dma_wait3A_168] : memref<13000x128xf32, #tpu.memory_space<hbm>> -> memref<64x128xf32, #tpu.memory_space<hbm>>
      tpu.wait_dma2 semaphore(%arg24 : memref<!tpu.dma_semaphore, #tpu.memory_space<semaphore_mem>>) src(%dma_wait3A_169 : memref<64x128xf32, #tpu.memory_space<hbm>>) dst(%arg18 : memref<64x128xf32, #tpu.memory_space<vmem>>)
      %dma_start3A_170 = arith.constant 0 : i32
      %dma_start3A_171 = arith.constant 0 : i32
      %dma_start3A_172 = tpu.memref_slice %arg20[%dma_start3A_170, %dma_start3A_171] : memref<12512x128xf32, #tpu.memory_space<vmem_shared>> -> memref<12512x128xf32, #tpu.memory_space<vmem_shared>>
      tpu.enqueue_indirect_dma source(%arg18 : memref<64x128xf32, #tpu.memory_space<vmem>>) target(%dma_start3A_172 : memref<12512x128xf32, #tpu.memory_space<vmem_shared>>) offsets(%arg15 : memref<64xi32, #tpu.memory_space<vmem>>) semaphore(%arg27 : memref<!tpu.dma_semaphore, #tpu.memory_space<semaphore_mem>>) {add = true}
      %dma_start3A_173 = arith.constant 0 : i32
      %dma_start3A_174 = tpu.memref_slice %arg21[%dma_start3A_173] : memref<12544xf32, #tpu.memory_space<vmem_shared>> -> memref<12544xf32, #tpu.memory_space<vmem_shared>>
      tpu.enqueue_indirect_dma source(%arg19 : memref<64xf32, #tpu.memory_space<vmem>>) target(%dma_start3A_174 : memref<12544xf32, #tpu.memory_space<vmem_shared>>) offsets(%arg15 : memref<64xi32, #tpu.memory_space<vmem>>) semaphore(%arg27 : memref<!tpu.dma_semaphore, #tpu.memory_space<semaphore_mem>>) {add = true}
      %ge3A_175 = arith.constant 1 : i32
      %ge3A_176 = arith.cmpi sge, %add3A_163, %ge3A_175 : i32
      %convert_element_type3A_177 = arith.extui %ge3A_176 : i1 to i32
      %cond3A_178 = arith.constant 0 : i32
      %cond3A_179 = arith.cmpi ne, %convert_element_type3A_177, %cond3A_178 : i32
      scf.if %cond3A_179 {
        %dma_wait3A_194 = arith.constant 0 : i32
        %dma_wait3A_195 = arith.constant 0 : i32
        %dma_wait3A_196 = tpu.memref_slice %arg2[%dma_wait3A_194, %dma_wait3A_195] : memref<13000x128xf32, #tpu.memory_space<hbm>> -> memref<64x128xf32, #tpu.memory_space<hbm>>
        %dma_wait3A_197 = arith.constant 0 : i32
        %dma_wait3A_198 = arith.constant 0 : i32
        %dma_wait3A_199 = tpu.memref_slice %arg2[%dma_wait3A_197, %dma_wait3A_198] : memref<13000x128xf32, #tpu.memory_space<hbm>> -> memref<64x128xf32, #tpu.memory_space<hbm>>
        tpu.wait_dma2 semaphore(%arg26 : memref<!tpu.dma_semaphore, #tpu.memory_space<semaphore_mem>>) src(%dma_wait3A_199 : memref<64x128xf32, #tpu.memory_space<hbm>>) dst(%arg17 : memref<64x128xf32, #tpu.memory_space<vmem>>)
        %dma_wait3A_200 = arith.constant 0 : i32
        %dma_wait3A_201 = tpu.memref_slice %arg7[%dma_wait3A_200] : memref<128xf32, #tpu.memory_space<hbm>> -> memref<64xf32, #tpu.memory_space<hbm>>
        %dma_wait3A_202 = arith.constant 0 : i32
        %dma_wait3A_203 = tpu.memref_slice %arg7[%dma_wait3A_202] : memref<128xf32, #tpu.memory_space<hbm>> -> memref<64xf32, #tpu.memory_space<hbm>>
        tpu.wait_dma2 semaphore(%arg26 : memref<!tpu.dma_semaphore, #tpu.memory_space<semaphore_mem>>) src(%dma_wait3A_203 : memref<64xf32, #tpu.memory_space<hbm>>) dst(%arg19 : memref<64xf32, #tpu.memory_space<vmem>>)
      } else {
      }
      %add3A_180 = arith.constant 2 : i32
      %add3A_181 = arith.addi %add3A_163, %add3A_180 : i32
      %lt3A_182 = arith.constant 177 : i32
      %lt3A_183 = arith.cmpi slt, %add3A_181, %lt3A_182 : i32
      %convert_element_type3A_184 = arith.extui %lt3A_183 : i1 to i32
      %cond3A_185 = arith.constant 0 : i32
      %cond3A_186 = arith.cmpi ne, %convert_element_type3A_184, %cond3A_185 : i32
      scf.if %cond3A_186 {
        %add3A_194 = arith.constant 2 : i32
        %add3A_195 = arith.addi %add3A_163, %add3A_194 : i32
        %add3A_196 = arith.addi %mul3A_2, %add3A_195 : i32
        %mul3A_197 = arith.constant 64 : i32
        %mul3A_198 = arith.muli %add3A_196, %mul3A_197 : i32
        %dma_start3A_199 = tpu.memref_slice %arg3[%mul3A_198] : memref<362496xi32, #tpu.memory_space<hbm>> -> memref<64xi32, #tpu.memory_space<hbm>>
        %dma_start3A_200 = tpu.memref_slice %arg3[%mul3A_198] : memref<362496xi32, #tpu.memory_space<hbm>> -> memref<64xi32, #tpu.memory_space<hbm>>
        tpu.enqueue_dma source(%dma_start3A_200 : memref<64xi32, #tpu.memory_space<hbm>>) target(%arg11 : memref<64xi32, #tpu.memory_space<vmem>>) target_semaphore(%arg29 : memref<!tpu.dma_semaphore, #tpu.memory_space<semaphore_mem>>)
        %add3A_201 = arith.addi %mul3A_2, %add3A_195 : i32
        %mul3A_202 = arith.constant 64 : i32
        %mul3A_203 = arith.muli %add3A_201, %mul3A_202 : i32
        %dma_start3A_204 = tpu.memref_slice %arg4[%mul3A_203] : memref<362496xi32, #tpu.memory_space<hbm>> -> memref<64xi32, #tpu.memory_space<hbm>>
        %dma_start3A_205 = tpu.memref_slice %arg4[%mul3A_203] : memref<362496xi32, #tpu.memory_space<hbm>> -> memref<64xi32, #tpu.memory_space<hbm>>
        tpu.enqueue_dma source(%dma_start3A_205 : memref<64xi32, #tpu.memory_space<hbm>>) target(%arg14 : memref<64xi32, #tpu.memory_space<vmem>>) target_semaphore(%arg29 : memref<!tpu.dma_semaphore, #tpu.memory_space<semaphore_mem>>)
      } else {
      }
      %add3A_187 = arith.constant 1 : i32
      %add3A_188 = arith.addi %add3A_163, %add3A_187 : i32
      %lt3A_189 = arith.constant 177 : i32
      %lt3A_190 = arith.cmpi slt, %add3A_188, %lt3A_189 : i32
      %convert_element_type3A_191 = arith.extui %lt3A_190 : i1 to i32
      %cond3A_192 = arith.constant 0 : i32
      %cond3A_193 = arith.cmpi ne, %convert_element_type3A_191, %cond3A_192 : i32
      scf.if %cond3A_193 {
        %dma_wait3A_194 = arith.constant 0 : i32
        %dma_wait3A_195 = tpu.memref_slice %arg3[%dma_wait3A_194] : memref<362496xi32, #tpu.memory_space<hbm>> -> memref<64xi32, #tpu.memory_space<hbm>>
        %dma_wait3A_196 = arith.constant 0 : i32
        %dma_wait3A_197 = tpu.memref_slice %arg3[%dma_wait3A_196] : memref<362496xi32, #tpu.memory_space<hbm>> -> memref<64xi32, #tpu.memory_space<hbm>>
        tpu.wait_dma2 semaphore(%arg28 : memref<!tpu.dma_semaphore, #tpu.memory_space<semaphore_mem>>) src(%dma_wait3A_197 : memref<64xi32, #tpu.memory_space<hbm>>) dst(%arg10 : memref<64xi32, #tpu.memory_space<vmem>>)
        %dma_wait3A_198 = arith.constant 0 : i32
        %dma_wait3A_199 = tpu.memref_slice %arg4[%dma_wait3A_198] : memref<362496xi32, #tpu.memory_space<hbm>> -> memref<64xi32, #tpu.memory_space<hbm>>
        %dma_wait3A_200 = arith.constant 0 : i32
        %dma_wait3A_201 = tpu.memref_slice %arg4[%dma_wait3A_200] : memref<362496xi32, #tpu.memory_space<hbm>> -> memref<64xi32, #tpu.memory_space<hbm>>
        tpu.wait_dma2 semaphore(%arg28 : memref<!tpu.dma_semaphore, #tpu.memory_space<semaphore_mem>>) src(%dma_wait3A_201 : memref<64xi32, #tpu.memory_space<hbm>>) dst(%arg13 : memref<64xi32, #tpu.memory_space<vmem>>)
        %dma_start3A_202 = arith.constant 0 : i32
        %dma_start3A_203 = arith.constant 0 : i32
        %dma_start3A_204 = tpu.memref_slice %arg2[%dma_start3A_202, %dma_start3A_203] : memref<13000x128xf32, #tpu.memory_space<hbm>> -> memref<13000x128xf32, #tpu.memory_space<hbm>>
        tpu.enqueue_indirect_dma source(%dma_start3A_204 : memref<13000x128xf32, #tpu.memory_space<hbm>>) target(%arg16 : memref<64x128xf32, #tpu.memory_space<vmem>>) offsets(%arg10 : memref<64xi32, #tpu.memory_space<vmem>>) semaphore(%arg22 : memref<!tpu.dma_semaphore, #tpu.memory_space<semaphore_mem>>)
      } else {
      }
    }
    %scan3A_56 = arith.constant 59 : i32
    %dma_wait3A_57 = arith.constant 0 : i32
    %dma_wait3A_58 = arith.constant 0 : i32
    %dma_wait3A_59 = tpu.memref_slice %arg2[%dma_wait3A_57, %dma_wait3A_58] : memref<13000x128xf32, #tpu.memory_space<hbm>> -> memref<64x128xf32, #tpu.memory_space<hbm>>
    %dma_wait3A_60 = arith.constant 0 : i32
    %dma_wait3A_61 = arith.constant 0 : i32
    %dma_wait3A_62 = tpu.memref_slice %arg2[%dma_wait3A_60, %dma_wait3A_61] : memref<13000x128xf32, #tpu.memory_space<hbm>> -> memref<64x128xf32, #tpu.memory_space<hbm>>
    tpu.wait_dma2 semaphore(%arg27 : memref<!tpu.dma_semaphore, #tpu.memory_space<semaphore_mem>>) src(%dma_wait3A_62 : memref<64x128xf32, #tpu.memory_space<hbm>>) dst(%arg18 : memref<64x128xf32, #tpu.memory_space<vmem>>)
    %dma_wait3A_63 = arith.constant 0 : i32
    %dma_wait3A_64 = tpu.memref_slice %arg7[%dma_wait3A_63] : memref<128xf32, #tpu.memory_space<hbm>> -> memref<64xf32, #tpu.memory_space<hbm>>
    %dma_wait3A_65 = arith.constant 0 : i32
    %dma_wait3A_66 = tpu.memref_slice %arg7[%dma_wait3A_65] : memref<128xf32, #tpu.memory_space<hbm>> -> memref<64xf32, #tpu.memory_space<hbm>>
    tpu.wait_dma2 semaphore(%arg27 : memref<!tpu.dma_semaphore, #tpu.memory_space<semaphore_mem>>) src(%dma_wait3A_66 : memref<64xf32, #tpu.memory_space<hbm>>) dst(%arg19 : memref<64xf32, #tpu.memory_space<vmem>>)
    %barrier3A_67 = arith.constant 0 : index
    tpu.barrier barrier_id(%barrier3A_67)
    %lt3A_68 = arith.constant 15 : i32
    %lt3A_69 = arith.cmpi slt, %arg1, %lt3A_68 : i32
    %convert_element_type3A_70 = arith.extui %lt3A_69 : i1 to i32
    %cond3A_71 = arith.constant 0 : i32
    %cond3A_72 = arith.cmpi ne, %convert_element_type3A_70, %cond3A_71 : i32
    scf.if %cond3A_72 {
      %mul3A_98 = arith.constant 632 : i32
      %mul3A_99 = arith.muli %arg1, %mul3A_98 : i32
      %mul3A_100 = arith.constant 13000 : i32
      %mul3A_101 = arith.muli %arg0, %mul3A_100 : i32
      %add3A_102 = arith.addi %mul3A_101, %mul3A_99 : i32
      "tpu.region"() ({
        %run_scoped3A = tpu.sem_alloc : memref<!tpu.dma_semaphore, #tpu.memory_space<semaphore_mem>>
        %dma_start3A_103 = arith.constant 0 : i32
        %dma_start3A_104 = tpu.memref_slice %arg8[%add3A_102, %dma_start3A_103] : memref<26000x128xf32, #tpu.memory_space<hbm>> -> memref<632x128xf32, #tpu.memory_space<hbm>>
        %dma_start3A_105 = arith.constant 0 : i32
        %dma_start3A_106 = tpu.memref_slice %arg20[%mul3A_99, %dma_start3A_105] : memref<12512x128xf32, #tpu.memory_space<vmem_shared>> -> memref<632x128xf32, #tpu.memory_space<vmem_shared>>
        tpu.enqueue_dma source(%dma_start3A_106 : memref<632x128xf32, #tpu.memory_space<vmem_shared>>) target(%dma_start3A_104 : memref<632x128xf32, #tpu.memory_space<hbm>>) target_semaphore(%run_scoped3A : memref<!tpu.dma_semaphore, #tpu.memory_space<semaphore_mem>>)
        %dma_wait3A_107 = arith.constant 0 : i32
        %dma_wait3A_108 = tpu.memref_slice %arg8[%add3A_102, %dma_wait3A_107] : memref<26000x128xf32, #tpu.memory_space<hbm>> -> memref<632x128xf32, #tpu.memory_space<hbm>>
        %dma_wait3A_109 = arith.constant 0 : i32
        %dma_wait3A_110 = tpu.memref_slice %arg20[%mul3A_99, %dma_wait3A_109] : memref<12512x128xf32, #tpu.memory_space<vmem_shared>> -> memref<632x128xf32, #tpu.memory_space<vmem_shared>>
        tpu.wait_dma2 semaphore(%run_scoped3A : memref<!tpu.dma_semaphore, #tpu.memory_space<semaphore_mem>>) src(%dma_wait3A_110 : memref<632x128xf32, #tpu.memory_space<vmem_shared>>) dst(%dma_wait3A_108 : memref<632x128xf32, #tpu.memory_space<hbm>>)
        tpu.yield
      }) : () -> ()
    } else {
    }
    %eq3A_73 = arith.constant 15 : i32
    %eq3A_74 = arith.cmpi eq, %arg1, %eq3A_73 : i32
    %convert_element_type3A_75 = arith.extui %eq3A_74 : i1 to i32
    %cond3A_76 = arith.constant 0 : i32
    %cond3A_77 = arith.cmpi ne, %convert_element_type3A_75, %cond3A_76 : i32
    scf.if %cond3A_77 {
      %mul3A_98 = arith.constant 13000 : i32
      %mul3A_99 = arith.muli %arg0, %mul3A_98 : i32
      %add3A_100 = arith.constant 9480 : i32
      %add3A_101 = arith.addi %mul3A_99, %add3A_100 : i32
      "tpu.region"() ({
        %run_scoped3A = tpu.sem_alloc : memref<!tpu.dma_semaphore, #tpu.memory_space<semaphore_mem>>
        %dma_start3A_102 = arith.constant 0 : i32
        %dma_start3A_103 = tpu.memref_slice %arg8[%add3A_101, %dma_start3A_102] : memref<26000x128xf32, #tpu.memory_space<hbm>> -> memref<520x128xf32, #tpu.memory_space<hbm>>
        %dma_start3A_104 = arith.constant 9480 : i32
        %dma_start3A_105 = arith.constant 0 : i32
        %dma_start3A_106 = tpu.memref_slice %arg20[%dma_start3A_104, %dma_start3A_105] : memref<12512x128xf32, #tpu.memory_space<vmem_shared>> -> memref<520x128xf32, #tpu.memory_space<vmem_shared>>
        tpu.enqueue_dma source(%dma_start3A_106 : memref<520x128xf32, #tpu.memory_space<vmem_shared>>) target(%dma_start3A_103 : memref<520x128xf32, #tpu.memory_space<hbm>>) target_semaphore(%run_scoped3A : memref<!tpu.dma_semaphore, #tpu.memory_space<semaphore_mem>>)
        %dma_wait3A_107 = arith.constant 0 : i32
        %dma_wait3A_108 = tpu.memref_slice %arg8[%add3A_101, %dma_wait3A_107] : memref<26000x128xf32, #tpu.memory_space<hbm>> -> memref<520x128xf32, #tpu.memory_space<hbm>>
        %dma_wait3A_109 = arith.constant 9480 : i32
        %dma_wait3A_110 = arith.constant 0 : i32
        %dma_wait3A_111 = tpu.memref_slice %arg20[%dma_wait3A_109, %dma_wait3A_110] : memref<12512x128xf32, #tpu.memory_space<vmem_shared>> -> memref<520x128xf32, #tpu.memory_space<vmem_shared>>
        tpu.wait_dma2 semaphore(%run_scoped3A : memref<!tpu.dma_semaphore, #tpu.memory_space<semaphore_mem>>) src(%dma_wait3A_111 : memref<520x128xf32, #tpu.memory_space<vmem_shared>>) dst(%dma_wait3A_108 : memref<520x128xf32, #tpu.memory_space<hbm>>)
        tpu.yield
      }) : () -> ()
    } else {
    }
    %lt3A_78 = arith.constant 15 : i32
    %lt3A_79 = arith.cmpi slt, %arg1, %lt3A_78 : i32
    %convert_element_type3A_80 = arith.extui %lt3A_79 : i1 to i32
    %cond3A_81 = arith.constant 0 : i32
    %cond3A_82 = arith.cmpi ne, %convert_element_type3A_80, %cond3A_81 : i32
    scf.if %cond3A_82 {
      %mul3A_98 = arith.constant 160 : i32
      %mul3A_99 = arith.muli %arg1, %mul3A_98 : i32
      %add3A_100 = arith.constant 10000 : i32
      %add3A_101 = arith.addi %add3A_100, %mul3A_99 : i32
      %mul3A_102 = arith.constant 13000 : i32
      %mul3A_103 = arith.muli %arg0, %mul3A_102 : i32
      %add3A_104 = arith.constant 10000 : i32
      %add3A_105 = arith.addi %mul3A_103, %add3A_104 : i32
      %add3A_106 = arith.addi %add3A_105, %mul3A_99 : i32
      "tpu.region"() ({
        %run_scoped3A = tpu.sem_alloc : memref<!tpu.dma_semaphore, #tpu.memory_space<semaphore_mem>>
        %dma_start3A_107 = arith.constant 0 : i32
        %dma_start3A_108 = tpu.memref_slice %arg8[%add3A_106, %dma_start3A_107] : memref<26000x128xf32, #tpu.memory_space<hbm>> -> memref<160x128xf32, #tpu.memory_space<hbm>>
        %dma_start3A_109 = arith.constant 0 : i32
        %dma_start3A_110 = tpu.memref_slice %arg20[%add3A_101, %dma_start3A_109] : memref<12512x128xf32, #tpu.memory_space<vmem_shared>> -> memref<160x128xf32, #tpu.memory_space<vmem_shared>>
        tpu.enqueue_dma source(%dma_start3A_110 : memref<160x128xf32, #tpu.memory_space<vmem_shared>>) target(%dma_start3A_108 : memref<160x128xf32, #tpu.memory_space<hbm>>) target_semaphore(%run_scoped3A : memref<!tpu.dma_semaphore, #tpu.memory_space<semaphore_mem>>)
        %dma_wait3A_111 = arith.constant 0 : i32
        %dma_wait3A_112 = tpu.memref_slice %arg8[%add3A_106, %dma_wait3A_111] : memref<26000x128xf32, #tpu.memory_space<hbm>> -> memref<160x128xf32, #tpu.memory_space<hbm>>
        %dma_wait3A_113 = arith.constant 0 : i32
        %dma_wait3A_114 = tpu.memref_slice %arg20[%add3A_101, %dma_wait3A_113] : memref<12512x128xf32, #tpu.memory_space<vmem_shared>> -> memref<160x128xf32, #tpu.memory_space<vmem_shared>>
        tpu.wait_dma2 semaphore(%run_scoped3A : memref<!tpu.dma_semaphore, #tpu.memory_space<semaphore_mem>>) src(%dma_wait3A_114 : memref<160x128xf32, #tpu.memory_space<vmem_shared>>) dst(%dma_wait3A_112 : memref<160x128xf32, #tpu.memory_space<hbm>>)
        tpu.yield
      }) : () -> ()
    } else {
    }
    %eq3A_83 = arith.constant 15 : i32
    %eq3A_84 = arith.cmpi eq, %arg1, %eq3A_83 : i32
    %convert_element_type3A_85 = arith.extui %eq3A_84 : i1 to i32
    %cond3A_86 = arith.constant 0 : i32
    %cond3A_87 = arith.cmpi ne, %convert_element_type3A_85, %cond3A_86 : i32
    scf.if %cond3A_87 {
      %mul3A_98 = arith.constant 13000 : i32
      %mul3A_99 = arith.muli %arg0, %mul3A_98 : i32
      %add3A_100 = arith.constant 10000 : i32
      %add3A_101 = arith.addi %mul3A_99, %add3A_100 : i32
      %add3A_102 = arith.constant 2400 : i32
      %add3A_103 = arith.addi %add3A_101, %add3A_102 : i32
      "tpu.region"() ({
        %run_scoped3A = tpu.sem_alloc : memref<!tpu.dma_semaphore, #tpu.memory_space<semaphore_mem>>
        %dma_start3A_104 = arith.constant 0 : i32
        %dma_start3A_105 = tpu.memref_slice %arg8[%add3A_103, %dma_start3A_104] : memref<26000x128xf32, #tpu.memory_space<hbm>> -> memref<112x128xf32, #tpu.memory_space<hbm>>
        %dma_start3A_106 = arith.constant 12400 : i32
        %dma_start3A_107 = arith.constant 0 : i32
        %dma_start3A_108 = tpu.memref_slice %arg20[%dma_start3A_106, %dma_start3A_107] : memref<12512x128xf32, #tpu.memory_space<vmem_shared>> -> memref<112x128xf32, #tpu.memory_space<vmem_shared>>
        tpu.enqueue_dma source(%dma_start3A_108 : memref<112x128xf32, #tpu.memory_space<vmem_shared>>) target(%dma_start3A_105 : memref<112x128xf32, #tpu.memory_space<hbm>>) target_semaphore(%run_scoped3A : memref<!tpu.dma_semaphore, #tpu.memory_space<semaphore_mem>>)
        %dma_wait3A_109 = arith.constant 0 : i32
        %dma_wait3A_110 = tpu.memref_slice %arg8[%add3A_103, %dma_wait3A_109] : memref<26000x128xf32, #tpu.memory_space<hbm>> -> memref<112x128xf32, #tpu.memory_space<hbm>>
        %dma_wait3A_111 = arith.constant 12400 : i32
        %dma_wait3A_112 = arith.constant 0 : i32
        %dma_wait3A_113 = tpu.memref_slice %arg20[%dma_wait3A_111, %dma_wait3A_112] : memref<12512x128xf32, #tpu.memory_space<vmem_shared>> -> memref<112x128xf32, #tpu.memory_space<vmem_shared>>
        tpu.wait_dma2 semaphore(%run_scoped3A : memref<!tpu.dma_semaphore, #tpu.memory_space<semaphore_mem>>) src(%dma_wait3A_113 : memref<112x128xf32, #tpu.memory_space<vmem_shared>>) dst(%dma_wait3A_110 : memref<112x128xf32, #tpu.memory_space<hbm>>)
        tpu.yield
      }) : () -> ()
    } else {
    }
    %lt3A_88 = arith.constant 15 : i32
    %lt3A_89 = arith.cmpi slt, %arg1, %lt3A_88 : i32
    %convert_element_type3A_90 = arith.extui %lt3A_89 : i1 to i32
    %cond3A_91 = arith.constant 0 : i32
    %cond3A_92 = arith.cmpi ne, %convert_element_type3A_90, %cond3A_91 : i32
    scf.if %cond3A_92 {
      %mul3A_98 = arith.constant 768 : i32
      %mul3A_99 = arith.muli %arg1, %mul3A_98 : i32
      %mul3A_100 = arith.constant 12544 : i32
      %mul3A_101 = arith.muli %arg0, %mul3A_100 : i32
      %add3A_102 = arith.addi %mul3A_101, %mul3A_99 : i32
      "tpu.region"() ({
        %run_scoped3A = tpu.sem_alloc : memref<!tpu.dma_semaphore, #tpu.memory_space<semaphore_mem>>
        %dma_start3A_103 = tpu.memref_slice %arg9[%add3A_102] : memref<25088xf32, #tpu.memory_space<hbm>> -> memref<768xf32, #tpu.memory_space<hbm>>
        %dma_start3A_104 = tpu.memref_slice %arg21[%mul3A_99] : memref<12544xf32, #tpu.memory_space<vmem_shared>> -> memref<768xf32, #tpu.memory_space<vmem_shared>>
        tpu.enqueue_dma source(%dma_start3A_104 : memref<768xf32, #tpu.memory_space<vmem_shared>>) target(%dma_start3A_103 : memref<768xf32, #tpu.memory_space<hbm>>) target_semaphore(%run_scoped3A : memref<!tpu.dma_semaphore, #tpu.memory_space<semaphore_mem>>)
        %dma_wait3A_105 = tpu.memref_slice %arg9[%add3A_102] : memref<25088xf32, #tpu.memory_space<hbm>> -> memref<768xf32, #tpu.memory_space<hbm>>
        %dma_wait3A_106 = tpu.memref_slice %arg21[%mul3A_99] : memref<12544xf32, #tpu.memory_space<vmem_shared>> -> memref<768xf32, #tpu.memory_space<vmem_shared>>
        tpu.wait_dma2 semaphore(%run_scoped3A : memref<!tpu.dma_semaphore, #tpu.memory_space<semaphore_mem>>) src(%dma_wait3A_106 : memref<768xf32, #tpu.memory_space<vmem_shared>>) dst(%dma_wait3A_105 : memref<768xf32, #tpu.memory_space<hbm>>)
        tpu.yield
      }) : () -> ()
    } else {
    }
    %eq3A_93 = arith.constant 15 : i32
    %eq3A_94 = arith.cmpi eq, %arg1, %eq3A_93 : i32
    %convert_element_type3A_95 = arith.extui %eq3A_94 : i1 to i32
    %cond3A_96 = arith.constant 0 : i32
    %cond3A_97 = arith.cmpi ne, %convert_element_type3A_95, %cond3A_96 : i32
    scf.if %cond3A_97 {
      %mul3A_98 = arith.constant 12544 : i32
      %mul3A_99 = arith.muli %arg0, %mul3A_98 : i32
      %add3A_100 = arith.constant 11520 : i32
      %add3A_101 = arith.addi %mul3A_99, %add3A_100 : i32
      "tpu.region"() ({
        %run_scoped3A = tpu.sem_alloc : memref<!tpu.dma_semaphore, #tpu.memory_space<semaphore_mem>>
        %dma_start3A_102 = tpu.memref_slice %arg9[%add3A_101] : memref<25088xf32, #tpu.memory_space<hbm>> -> memref<1024xf32, #tpu.memory_space<hbm>>
        %dma_start3A_103 = arith.constant 11520 : i32
        %dma_start3A_104 = tpu.memref_slice %arg21[%dma_start3A_103] : memref<12544xf32, #tpu.memory_space<vmem_shared>> -> memref<1024xf32, #tpu.memory_space<vmem_shared>>
        tpu.enqueue_dma source(%dma_start3A_104 : memref<1024xf32, #tpu.memory_space<vmem_shared>>) target(%dma_start3A_102 : memref<1024xf32, #tpu.memory_space<hbm>>) target_semaphore(%run_scoped3A : memref<!tpu.dma_semaphore, #tpu.memory_space<semaphore_mem>>)
        %dma_wait3A_105 = tpu.memref_slice %arg9[%add3A_101] : memref<25088xf32, #tpu.memory_space<hbm>> -> memref<1024xf32, #tpu.memory_space<hbm>>
        %dma_wait3A_106 = arith.constant 11520 : i32
        %dma_wait3A_107 = tpu.memref_slice %arg21[%dma_wait3A_106] : memref<12544xf32, #tpu.memory_space<vmem_shared>> -> memref<1024xf32, #tpu.memory_space<vmem_shared>>
        tpu.wait_dma2 semaphore(%run_scoped3A : memref<!tpu.dma_semaphore, #tpu.memory_space<semaphore_mem>>) src(%dma_wait3A_107 : memref<1024xf32, #tpu.memory_space<vmem_shared>>) dst(%dma_wait3A_105 : memref<1024xf32, #tpu.memory_space<hbm>>)
        tpu.yield
      }) : () -> ()
    } else {
    }
    return
  }
}

#map = affine_map<(d0, d1) -> (0, 0)>
#map1 = affine_map<(d0, d1) -> (0)>
module attributes {stable_mosaic.version = 14 : i64} {
  func.func @_sc_inter_body(%arg0: i32, %arg1: i32, %arg2: memref<13000x128xf32, #tpu.memory_space<hbm>>, %arg3: memref<10000xi32, #tpu.memory_space<hbm>>, %arg4: memref<10000xi32, #tpu.memory_space<hbm>>, %arg5: memref<784x128xf32, #tpu.memory_space<hbm>>, %arg6: memref<1024xf32, #tpu.memory_space<hbm>>, %arg7: memref<128xf32, #tpu.memory_space<hbm>>, %arg8: memref<10000x128xf32, #tpu.memory_space<hbm>>, %arg9: memref<5024x128xf32, #tpu.memory_space<hbm>>, %arg10: memref<5120xf32, #tpu.memory_space<hbm>>, %arg11: memref<80xi32, #tpu.memory_space<vmem>>, %arg12: memref<80xi32, #tpu.memory_space<vmem>>, %arg13: memref<80x128xf32, #tpu.memory_space<vmem>>, %arg14: memref<80x128xf32, #tpu.memory_space<vmem>>, %arg15: memref<80xf32, #tpu.memory_space<vmem>>, %arg16: memref<2512x128xf32, #tpu.memory_space<vmem_shared>>, %arg17: memref<2560xf32, #tpu.memory_space<vmem_shared>>, %arg18: memref<!tpu.dma_semaphore, #tpu.memory_space<semaphore_mem>>) attributes {dimension_semantics = [#tpu.dimension_semantics<core_parallel>, #tpu.dimension_semantics<subcore_parallel>], iteration_bounds = array<i64: 2, 16>, scalar_prefetch = 0 : i64, scratch_operands = 8 : i64, tpu.core_type = #tpu.core_type<sc_vector_subcore>, window_params = [{transform_indices = #map}, {transform_indices = #map1}, {transform_indices = #map1}, {transform_indices = #map}, {transform_indices = #map1}, {transform_indices = #map1}, {transform_indices = #map}, {transform_indices = #map}, {transform_indices = #map1}]} {
    %mul3A = arith.constant 2 : i32
    %mul3A_0 = arith.muli %arg1, %mul3A : i32
    %add3A = arith.addi %mul3A_0, %arg0 : i32
    %lt3A = arith.constant 15 : i32
    %lt3A_1 = arith.cmpi slt, %arg1, %lt3A : i32
    %convert_element_type3A = arith.extui %lt3A_1 : i1 to i32
    %cond3A = arith.constant 0 : i32
    %cond3A_2 = arith.cmpi ne, %convert_element_type3A, %cond3A : i32
    scf.if %cond3A_2 {
      %mul3A_43 = arith.constant 160 : i32
      %mul3A_44 = arith.muli %arg1, %mul3A_43 : i32
      "tpu.region"() ({
        %run_scoped3A = tpu.sem_alloc : memref<!tpu.dma_semaphore, #tpu.memory_space<semaphore_mem>>
        %dma_start3A = arith.constant 0 : i32
        %dma_start3A_45 = tpu.memref_slice %arg16[%mul3A_44, %dma_start3A] : memref<2512x128xf32, #tpu.memory_space<vmem_shared>> -> memref<160x128xf32, #tpu.memory_space<vmem_shared>>
        %dma_start3A_46 = arith.constant 0 : i32
        %dma_start3A_47 = arith.constant 0 : i32
        %dma_start3A_48 = tpu.memref_slice %arg5[%dma_start3A_46, %dma_start3A_47] : memref<784x128xf32, #tpu.memory_space<hbm>> -> memref<160x128xf32, #tpu.memory_space<hbm>>
        tpu.enqueue_dma source(%dma_start3A_48 : memref<160x128xf32, #tpu.memory_space<hbm>>) target(%dma_start3A_45 : memref<160x128xf32, #tpu.memory_space<vmem_shared>>) target_semaphore(%run_scoped3A : memref<!tpu.dma_semaphore, #tpu.memory_space<semaphore_mem>>)
        %dma_wait3A = arith.constant 0 : i32
        %dma_wait3A_49 = tpu.memref_slice %arg16[%mul3A_44, %dma_wait3A] : memref<2512x128xf32, #tpu.memory_space<vmem_shared>> -> memref<160x128xf32, #tpu.memory_space<vmem_shared>>
        %dma_wait3A_50 = arith.constant 0 : i32
        %dma_wait3A_51 = arith.constant 0 : i32
        %dma_wait3A_52 = tpu.memref_slice %arg5[%dma_wait3A_50, %dma_wait3A_51] : memref<784x128xf32, #tpu.memory_space<hbm>> -> memref<160x128xf32, #tpu.memory_space<hbm>>
        tpu.wait_dma2 semaphore(%run_scoped3A : memref<!tpu.dma_semaphore, #tpu.memory_space<semaphore_mem>>) src(%dma_wait3A_52 : memref<160x128xf32, #tpu.memory_space<hbm>>) dst(%dma_wait3A_49 : memref<160x128xf32, #tpu.memory_space<vmem_shared>>)
        tpu.yield
      }) : () -> ()
    } else {
    }
    %eq3A = arith.constant 15 : i32
    %eq3A_3 = arith.cmpi eq, %arg1, %eq3A : i32
    %convert_element_type3A_4 = arith.extui %eq3A_3 : i1 to i32
    %cond3A_5 = arith.constant 0 : i32
    %cond3A_6 = arith.cmpi ne, %convert_element_type3A_4, %cond3A_5 : i32
    scf.if %cond3A_6 {
      "tpu.region"() ({
        %run_scoped3A = tpu.sem_alloc : memref<!tpu.dma_semaphore, #tpu.memory_space<semaphore_mem>>
        %dma_start3A = arith.constant 2400 : i32
        %dma_start3A_43 = arith.constant 0 : i32
        %dma_start3A_44 = tpu.memref_slice %arg16[%dma_start3A, %dma_start3A_43] : memref<2512x128xf32, #tpu.memory_space<vmem_shared>> -> memref<112x128xf32, #tpu.memory_space<vmem_shared>>
        %dma_start3A_45 = arith.constant 0 : i32
        %dma_start3A_46 = arith.constant 0 : i32
        %dma_start3A_47 = tpu.memref_slice %arg5[%dma_start3A_45, %dma_start3A_46] : memref<784x128xf32, #tpu.memory_space<hbm>> -> memref<112x128xf32, #tpu.memory_space<hbm>>
        tpu.enqueue_dma source(%dma_start3A_47 : memref<112x128xf32, #tpu.memory_space<hbm>>) target(%dma_start3A_44 : memref<112x128xf32, #tpu.memory_space<vmem_shared>>) target_semaphore(%run_scoped3A : memref<!tpu.dma_semaphore, #tpu.memory_space<semaphore_mem>>)
        %dma_wait3A = arith.constant 2400 : i32
        %dma_wait3A_48 = arith.constant 0 : i32
        %dma_wait3A_49 = tpu.memref_slice %arg16[%dma_wait3A, %dma_wait3A_48] : memref<2512x128xf32, #tpu.memory_space<vmem_shared>> -> memref<112x128xf32, #tpu.memory_space<vmem_shared>>
        %dma_wait3A_50 = arith.constant 0 : i32
        %dma_wait3A_51 = arith.constant 0 : i32
        %dma_wait3A_52 = tpu.memref_slice %arg5[%dma_wait3A_50, %dma_wait3A_51] : memref<784x128xf32, #tpu.memory_space<hbm>> -> memref<112x128xf32, #tpu.memory_space<hbm>>
        tpu.wait_dma2 semaphore(%run_scoped3A : memref<!tpu.dma_semaphore, #tpu.memory_space<semaphore_mem>>) src(%dma_wait3A_52 : memref<112x128xf32, #tpu.memory_space<hbm>>) dst(%dma_wait3A_49 : memref<112x128xf32, #tpu.memory_space<vmem_shared>>)
        tpu.yield
      }) : () -> ()
    } else {
    }
    %lt3A_7 = arith.constant 15 : i32
    %lt3A_8 = arith.cmpi slt, %arg1, %lt3A_7 : i32
    %convert_element_type3A_9 = arith.extui %lt3A_8 : i1 to i32
    %cond3A_10 = arith.constant 0 : i32
    %cond3A_11 = arith.cmpi ne, %convert_element_type3A_9, %cond3A_10 : i32
    scf.if %cond3A_11 {
      %mul3A_43 = arith.constant 128 : i32
      %mul3A_44 = arith.muli %arg1, %mul3A_43 : i32
      "tpu.region"() ({
        %run_scoped3A = tpu.sem_alloc : memref<!tpu.dma_semaphore, #tpu.memory_space<semaphore_mem>>
        %dma_start3A = tpu.memref_slice %arg17[%mul3A_44] : memref<2560xf32, #tpu.memory_space<vmem_shared>> -> memref<128xf32, #tpu.memory_space<vmem_shared>>
        %dma_start3A_45 = arith.constant 0 : i32
        %dma_start3A_46 = tpu.memref_slice %arg6[%dma_start3A_45] : memref<1024xf32, #tpu.memory_space<hbm>> -> memref<128xf32, #tpu.memory_space<hbm>>
        tpu.enqueue_dma source(%dma_start3A_46 : memref<128xf32, #tpu.memory_space<hbm>>) target(%dma_start3A : memref<128xf32, #tpu.memory_space<vmem_shared>>) target_semaphore(%run_scoped3A : memref<!tpu.dma_semaphore, #tpu.memory_space<semaphore_mem>>)
        %dma_wait3A = tpu.memref_slice %arg17[%mul3A_44] : memref<2560xf32, #tpu.memory_space<vmem_shared>> -> memref<128xf32, #tpu.memory_space<vmem_shared>>
        %dma_wait3A_47 = arith.constant 0 : i32
        %dma_wait3A_48 = tpu.memref_slice %arg6[%dma_wait3A_47] : memref<1024xf32, #tpu.memory_space<hbm>> -> memref<128xf32, #tpu.memory_space<hbm>>
        tpu.wait_dma2 semaphore(%run_scoped3A : memref<!tpu.dma_semaphore, #tpu.memory_space<semaphore_mem>>) src(%dma_wait3A_48 : memref<128xf32, #tpu.memory_space<hbm>>) dst(%dma_wait3A : memref<128xf32, #tpu.memory_space<vmem_shared>>)
        tpu.yield
      }) : () -> ()
    } else {
    }
    %eq3A_12 = arith.constant 15 : i32
    %eq3A_13 = arith.cmpi eq, %arg1, %eq3A_12 : i32
    %convert_element_type3A_14 = arith.extui %eq3A_13 : i1 to i32
    %cond3A_15 = arith.constant 0 : i32
    %cond3A_16 = arith.cmpi ne, %convert_element_type3A_14, %cond3A_15 : i32
    scf.if %cond3A_16 {
      "tpu.region"() ({
        %run_scoped3A = tpu.sem_alloc : memref<!tpu.dma_semaphore, #tpu.memory_space<semaphore_mem>>
        %dma_start3A = arith.constant 1920 : i32
        %dma_start3A_43 = tpu.memref_slice %arg17[%dma_start3A] : memref<2560xf32, #tpu.memory_space<vmem_shared>> -> memref<640xf32, #tpu.memory_space<vmem_shared>>
        %dma_start3A_44 = arith.constant 0 : i32
        %dma_start3A_45 = tpu.memref_slice %arg6[%dma_start3A_44] : memref<1024xf32, #tpu.memory_space<hbm>> -> memref<640xf32, #tpu.memory_space<hbm>>
        tpu.enqueue_dma source(%dma_start3A_45 : memref<640xf32, #tpu.memory_space<hbm>>) target(%dma_start3A_43 : memref<640xf32, #tpu.memory_space<vmem_shared>>) target_semaphore(%run_scoped3A : memref<!tpu.dma_semaphore, #tpu.memory_space<semaphore_mem>>)
        %dma_wait3A = arith.constant 1920 : i32
        %dma_wait3A_46 = tpu.memref_slice %arg17[%dma_wait3A] : memref<2560xf32, #tpu.memory_space<vmem_shared>> -> memref<640xf32, #tpu.memory_space<vmem_shared>>
        %dma_wait3A_47 = arith.constant 0 : i32
        %dma_wait3A_48 = tpu.memref_slice %arg6[%dma_wait3A_47] : memref<1024xf32, #tpu.memory_space<hbm>> -> memref<640xf32, #tpu.memory_space<hbm>>
        tpu.wait_dma2 semaphore(%run_scoped3A : memref<!tpu.dma_semaphore, #tpu.memory_space<semaphore_mem>>) src(%dma_wait3A_48 : memref<640xf32, #tpu.memory_space<hbm>>) dst(%dma_wait3A_46 : memref<640xf32, #tpu.memory_space<vmem_shared>>)
        tpu.yield
      }) : () -> ()
    } else {
    }
    "tpu.region"() ({
      %run_scoped3A = tpu.sem_alloc : memref<!tpu.dma_semaphore, #tpu.memory_space<semaphore_mem>>
      %dma_start3A = arith.constant 0 : i32
      %dma_start3A_43 = tpu.memref_slice %arg7[%dma_start3A] : memref<128xf32, #tpu.memory_space<hbm>> -> memref<80xf32, #tpu.memory_space<hbm>>
      %dma_start3A_44 = arith.constant 0 : i32
      %dma_start3A_45 = tpu.memref_slice %arg7[%dma_start3A_44] : memref<128xf32, #tpu.memory_space<hbm>> -> memref<80xf32, #tpu.memory_space<hbm>>
      tpu.enqueue_dma source(%dma_start3A_45 : memref<80xf32, #tpu.memory_space<hbm>>) target(%arg15 : memref<80xf32, #tpu.memory_space<vmem>>) target_semaphore(%run_scoped3A : memref<!tpu.dma_semaphore, #tpu.memory_space<semaphore_mem>>)
      %dma_wait3A = arith.constant 0 : i32
      %dma_wait3A_46 = tpu.memref_slice %arg7[%dma_wait3A] : memref<128xf32, #tpu.memory_space<hbm>> -> memref<80xf32, #tpu.memory_space<hbm>>
      %dma_wait3A_47 = arith.constant 0 : i32
      %dma_wait3A_48 = tpu.memref_slice %arg7[%dma_wait3A_47] : memref<128xf32, #tpu.memory_space<hbm>> -> memref<80xf32, #tpu.memory_space<hbm>>
      tpu.wait_dma2 semaphore(%run_scoped3A : memref<!tpu.dma_semaphore, #tpu.memory_space<semaphore_mem>>) src(%dma_wait3A_48 : memref<80xf32, #tpu.memory_space<hbm>>) dst(%arg15 : memref<80xf32, #tpu.memory_space<vmem>>)
      tpu.yield
    }) : () -> ()
    %barrier3A = arith.constant 0 : index
    tpu.barrier barrier_id(%barrier3A)
    %scan3A = arith.constant 0 : i32
    %scan3A_17 = arith.constant 0 : i32
    %scan3A_18 = arith.constant 4 : i32
    %scan3A_19 = arith.addi %scan3A_17, %scan3A_18 : i32
    %scan3A_20 = arith.constant 1 : i32
    scf.for %scan3A_43 = %scan3A_17 to %scan3A_19 step %scan3A_20  : i32 {
      %mul3A_44 = arith.constant 32 : i32
      %mul3A_45 = arith.muli %scan3A_43, %mul3A_44 : i32
      %add3A_46 = arith.addi %add3A, %mul3A_45 : i32
      %lt3A_47 = arith.constant 125 : i32
      %lt3A_48 = arith.cmpi slt, %add3A_46, %lt3A_47 : i32
      %convert_element_type3A_49 = arith.extui %lt3A_48 : i1 to i32
      %cond3A_50 = arith.constant 0 : i32
      %cond3A_51 = arith.cmpi ne, %convert_element_type3A_49, %cond3A_50 : i32
      scf.if %cond3A_51 {
        %mul3A_52 = arith.constant 80 : i32
        %mul3A_53 = arith.muli %add3A_46, %mul3A_52 : i32
        "tpu.region"() ({
          %run_scoped3A = tpu.sem_alloc : memref<!tpu.dma_semaphore, #tpu.memory_space<semaphore_mem>>
          %dma_start3A_64 = tpu.memref_slice %arg3[%mul3A_53] : memref<10000xi32, #tpu.memory_space<hbm>> -> memref<80xi32, #tpu.memory_space<hbm>>
          %dma_start3A_65 = tpu.memref_slice %arg3[%mul3A_53] : memref<10000xi32, #tpu.memory_space<hbm>> -> memref<80xi32, #tpu.memory_space<hbm>>
          tpu.enqueue_dma source(%dma_start3A_65 : memref<80xi32, #tpu.memory_space<hbm>>) target(%arg11 : memref<80xi32, #tpu.memory_space<vmem>>) target_semaphore(%run_scoped3A : memref<!tpu.dma_semaphore, #tpu.memory_space<semaphore_mem>>)
          %dma_wait3A_66 = tpu.memref_slice %arg3[%mul3A_53] : memref<10000xi32, #tpu.memory_space<hbm>> -> memref<80xi32, #tpu.memory_space<hbm>>
          %dma_wait3A_67 = tpu.memref_slice %arg3[%mul3A_53] : memref<10000xi32, #tpu.memory_space<hbm>> -> memref<80xi32, #tpu.memory_space<hbm>>
          tpu.wait_dma2 semaphore(%run_scoped3A : memref<!tpu.dma_semaphore, #tpu.memory_space<semaphore_mem>>) src(%dma_wait3A_67 : memref<80xi32, #tpu.memory_space<hbm>>) dst(%arg11 : memref<80xi32, #tpu.memory_space<vmem>>)
          tpu.yield
        }) : () -> ()
        %mul3A_54 = arith.constant 80 : i32
        %mul3A_55 = arith.muli %add3A_46, %mul3A_54 : i32
        "tpu.region"() ({
          %run_scoped3A = tpu.sem_alloc : memref<!tpu.dma_semaphore, #tpu.memory_space<semaphore_mem>>
          %dma_start3A_64 = tpu.memref_slice %arg4[%mul3A_55] : memref<10000xi32, #tpu.memory_space<hbm>> -> memref<80xi32, #tpu.memory_space<hbm>>
          %dma_start3A_65 = tpu.memref_slice %arg4[%mul3A_55] : memref<10000xi32, #tpu.memory_space<hbm>> -> memref<80xi32, #tpu.memory_space<hbm>>
          tpu.enqueue_dma source(%dma_start3A_65 : memref<80xi32, #tpu.memory_space<hbm>>) target(%arg12 : memref<80xi32, #tpu.memory_space<vmem>>) target_semaphore(%run_scoped3A : memref<!tpu.dma_semaphore, #tpu.memory_space<semaphore_mem>>)
          %dma_wait3A_66 = tpu.memref_slice %arg4[%mul3A_55] : memref<10000xi32, #tpu.memory_space<hbm>> -> memref<80xi32, #tpu.memory_space<hbm>>
          %dma_wait3A_67 = tpu.memref_slice %arg4[%mul3A_55] : memref<10000xi32, #tpu.memory_space<hbm>> -> memref<80xi32, #tpu.memory_space<hbm>>
          tpu.wait_dma2 semaphore(%run_scoped3A : memref<!tpu.dma_semaphore, #tpu.memory_space<semaphore_mem>>) src(%dma_wait3A_67 : memref<80xi32, #tpu.memory_space<hbm>>) dst(%arg12 : memref<80xi32, #tpu.memory_space<vmem>>)
          tpu.yield
        }) : () -> ()
        %dma_start3A = arith.constant 0 : i32
        %dma_start3A_56 = arith.constant 0 : i32
        %dma_start3A_57 = tpu.memref_slice %arg2[%dma_start3A, %dma_start3A_56] : memref<13000x128xf32, #tpu.memory_space<hbm>> -> memref<13000x128xf32, #tpu.memory_space<hbm>>
        tpu.enqueue_indirect_dma source(%dma_start3A_57 : memref<13000x128xf32, #tpu.memory_space<hbm>>) target(%arg13 : memref<80x128xf32, #tpu.memory_space<vmem>>) offsets(%arg12 : memref<80xi32, #tpu.memory_space<vmem>>) semaphore(%arg18 : memref<!tpu.dma_semaphore, #tpu.memory_space<semaphore_mem>>)
        %dma_wait3A = arith.constant 0 : i32
        %dma_wait3A_58 = arith.constant 0 : i32
        %dma_wait3A_59 = tpu.memref_slice %arg2[%dma_wait3A, %dma_wait3A_58] : memref<13000x128xf32, #tpu.memory_space<hbm>> -> memref<13000x128xf32, #tpu.memory_space<hbm>>
        tpu.wait_indirect_dma semaphore(%arg18 : memref<!tpu.dma_semaphore, #tpu.memory_space<semaphore_mem>>) src(%dma_wait3A_59 : memref<13000x128xf32, #tpu.memory_space<hbm>>) dst(%arg13 : memref<80x128xf32, #tpu.memory_space<vmem>>)
        %mul3A_60 = arith.constant 80 : i32
        %mul3A_61 = arith.muli %add3A_46, %mul3A_60 : i32
        "tpu.region"() ({
          %run_scoped3A = tpu.sem_alloc : memref<!tpu.dma_semaphore, #tpu.memory_space<semaphore_mem>>
          %dma_start3A_64 = arith.constant 0 : i32
          %dma_start3A_65 = tpu.memref_slice %arg8[%mul3A_61, %dma_start3A_64] : memref<10000x128xf32, #tpu.memory_space<hbm>> -> memref<80x128xf32, #tpu.memory_space<hbm>>
          %dma_start3A_66 = arith.constant 0 : i32
          %dma_start3A_67 = tpu.memref_slice %arg8[%mul3A_61, %dma_start3A_66] : memref<10000x128xf32, #tpu.memory_space<hbm>> -> memref<80x128xf32, #tpu.memory_space<hbm>>
          tpu.enqueue_dma source(%arg13 : memref<80x128xf32, #tpu.memory_space<vmem>>) target(%dma_start3A_67 : memref<80x128xf32, #tpu.memory_space<hbm>>) target_semaphore(%run_scoped3A : memref<!tpu.dma_semaphore, #tpu.memory_space<semaphore_mem>>)
          %dma_wait3A_68 = arith.constant 0 : i32
          %dma_wait3A_69 = tpu.memref_slice %arg8[%mul3A_61, %dma_wait3A_68] : memref<10000x128xf32, #tpu.memory_space<hbm>> -> memref<80x128xf32, #tpu.memory_space<hbm>>
          %dma_wait3A_70 = arith.constant 0 : i32
          %dma_wait3A_71 = tpu.memref_slice %arg8[%mul3A_61, %dma_wait3A_70] : memref<10000x128xf32, #tpu.memory_space<hbm>> -> memref<80x128xf32, #tpu.memory_space<hbm>>
          tpu.wait_dma2 semaphore(%run_scoped3A : memref<!tpu.dma_semaphore, #tpu.memory_space<semaphore_mem>>) src(%arg13 : memref<80x128xf32, #tpu.memory_space<vmem>>) dst(%dma_wait3A_71 : memref<80x128xf32, #tpu.memory_space<hbm>>)
          tpu.yield
        }) : () -> ()
        %mul3A_62 = arith.constant 80 : i32
        %mul3A_63 = arith.muli %add3A_46, %mul3A_62 : i32
        "tpu.region"() ({
          %run_scoped3A = tpu.sem_alloc : memref<!tpu.dma_semaphore, #tpu.memory_space<semaphore_mem>>
          %dma_start3A_64 = arith.constant 0 : i32
          %dma_start3A_65 = tpu.memref_slice %arg2[%mul3A_63, %dma_start3A_64] : memref<13000x128xf32, #tpu.memory_space<hbm>> -> memref<80x128xf32, #tpu.memory_space<hbm>>
          %dma_start3A_66 = arith.constant 0 : i32
          %dma_start3A_67 = tpu.memref_slice %arg2[%mul3A_63, %dma_start3A_66] : memref<13000x128xf32, #tpu.memory_space<hbm>> -> memref<80x128xf32, #tpu.memory_space<hbm>>
          tpu.enqueue_dma source(%dma_start3A_67 : memref<80x128xf32, #tpu.memory_space<hbm>>) target(%arg14 : memref<80x128xf32, #tpu.memory_space<vmem>>) target_semaphore(%run_scoped3A : memref<!tpu.dma_semaphore, #tpu.memory_space<semaphore_mem>>)
          %dma_wait3A_68 = arith.constant 0 : i32
          %dma_wait3A_69 = tpu.memref_slice %arg2[%mul3A_63, %dma_wait3A_68] : memref<13000x128xf32, #tpu.memory_space<hbm>> -> memref<80x128xf32, #tpu.memory_space<hbm>>
          %dma_wait3A_70 = arith.constant 0 : i32
          %dma_wait3A_71 = tpu.memref_slice %arg2[%mul3A_63, %dma_wait3A_70] : memref<13000x128xf32, #tpu.memory_space<hbm>> -> memref<80x128xf32, #tpu.memory_space<hbm>>
          tpu.wait_dma2 semaphore(%run_scoped3A : memref<!tpu.dma_semaphore, #tpu.memory_space<semaphore_mem>>) src(%dma_wait3A_71 : memref<80x128xf32, #tpu.memory_space<hbm>>) dst(%arg14 : memref<80x128xf32, #tpu.memory_space<vmem>>)
          tpu.yield
        }) : () -> ()
        "tpu.region"() ({
          %run_scoped3A = tpu.sem_alloc : memref<!tpu.dma_semaphore, #tpu.memory_space<semaphore_mem>>
          %dma_start3A_64 = arith.constant 0 : i32
          %dma_start3A_65 = arith.constant 0 : i32
          %dma_start3A_66 = tpu.memref_slice %arg16[%dma_start3A_64, %dma_start3A_65] : memref<2512x128xf32, #tpu.memory_space<vmem_shared>> -> memref<2512x128xf32, #tpu.memory_space<vmem_shared>>
          tpu.enqueue_indirect_dma source(%arg14 : memref<80x128xf32, #tpu.memory_space<vmem>>) target(%dma_start3A_66 : memref<2512x128xf32, #tpu.memory_space<vmem_shared>>) offsets(%arg11 : memref<80xi32, #tpu.memory_space<vmem>>) semaphore(%run_scoped3A : memref<!tpu.dma_semaphore, #tpu.memory_space<semaphore_mem>>) {add = true}
          %dma_wait3A_67 = arith.constant 0 : i32
          %dma_wait3A_68 = arith.constant 0 : i32
          %dma_wait3A_69 = tpu.memref_slice %arg16[%dma_wait3A_67, %dma_wait3A_68] : memref<2512x128xf32, #tpu.memory_space<vmem_shared>> -> memref<2512x128xf32, #tpu.memory_space<vmem_shared>>
          tpu.wait_indirect_dma semaphore(%run_scoped3A : memref<!tpu.dma_semaphore, #tpu.memory_space<semaphore_mem>>) src(%arg14 : memref<80x128xf32, #tpu.memory_space<vmem>>) dst(%dma_wait3A_69 : memref<2512x128xf32, #tpu.memory_space<vmem_shared>>)
          tpu.yield
        }) : () -> ()
        "tpu.region"() ({
          %run_scoped3A = tpu.sem_alloc : memref<!tpu.dma_semaphore, #tpu.memory_space<semaphore_mem>>
          %dma_start3A_64 = arith.constant 0 : i32
          %dma_start3A_65 = tpu.memref_slice %arg17[%dma_start3A_64] : memref<2560xf32, #tpu.memory_space<vmem_shared>> -> memref<2560xf32, #tpu.memory_space<vmem_shared>>
          tpu.enqueue_indirect_dma source(%arg15 : memref<80xf32, #tpu.memory_space<vmem>>) target(%dma_start3A_65 : memref<2560xf32, #tpu.memory_space<vmem_shared>>) offsets(%arg11 : memref<80xi32, #tpu.memory_space<vmem>>) semaphore(%run_scoped3A : memref<!tpu.dma_semaphore, #tpu.memory_space<semaphore_mem>>) {add = true}
          %dma_wait3A_66 = arith.constant 0 : i32
          %dma_wait3A_67 = tpu.memref_slice %arg17[%dma_wait3A_66] : memref<2560xf32, #tpu.memory_space<vmem_shared>> -> memref<2560xf32, #tpu.memory_space<vmem_shared>>
          tpu.wait_indirect_dma semaphore(%run_scoped3A : memref<!tpu.dma_semaphore, #tpu.memory_space<semaphore_mem>>) src(%arg15 : memref<80xf32, #tpu.memory_space<vmem>>) dst(%dma_wait3A_67 : memref<2560xf32, #tpu.memory_space<vmem_shared>>)
          tpu.yield
        }) : () -> ()
      } else {
      }
    }
    %scan3A_21 = arith.constant 4 : i32
    %barrier3A_22 = arith.constant 0 : index
    tpu.barrier barrier_id(%barrier3A_22)
    %lt3A_23 = arith.constant 15 : i32
    %lt3A_24 = arith.cmpi slt, %arg1, %lt3A_23 : i32
    %convert_element_type3A_25 = arith.extui %lt3A_24 : i1 to i32
    %cond3A_26 = arith.constant 0 : i32
    %cond3A_27 = arith.cmpi ne, %convert_element_type3A_25, %cond3A_26 : i32
    scf.if %cond3A_27 {
      %mul3A_43 = arith.constant 160 : i32
      %mul3A_44 = arith.muli %arg1, %mul3A_43 : i32
      %mul3A_45 = arith.constant 2512 : i32
      %mul3A_46 = arith.muli %arg0, %mul3A_45 : i32
      %add3A_47 = arith.addi %mul3A_46, %mul3A_44 : i32
      "tpu.region"() ({
        %run_scoped3A = tpu.sem_alloc : memref<!tpu.dma_semaphore, #tpu.memory_space<semaphore_mem>>
        %dma_start3A = arith.constant 0 : i32
        %dma_start3A_48 = tpu.memref_slice %arg9[%add3A_47, %dma_start3A] : memref<5024x128xf32, #tpu.memory_space<hbm>> -> memref<160x128xf32, #tpu.memory_space<hbm>>
        %dma_start3A_49 = arith.constant 0 : i32
        %dma_start3A_50 = tpu.memref_slice %arg16[%mul3A_44, %dma_start3A_49] : memref<2512x128xf32, #tpu.memory_space<vmem_shared>> -> memref<160x128xf32, #tpu.memory_space<vmem_shared>>
        tpu.enqueue_dma source(%dma_start3A_50 : memref<160x128xf32, #tpu.memory_space<vmem_shared>>) target(%dma_start3A_48 : memref<160x128xf32, #tpu.memory_space<hbm>>) target_semaphore(%run_scoped3A : memref<!tpu.dma_semaphore, #tpu.memory_space<semaphore_mem>>)
        %dma_wait3A = arith.constant 0 : i32
        %dma_wait3A_51 = tpu.memref_slice %arg9[%add3A_47, %dma_wait3A] : memref<5024x128xf32, #tpu.memory_space<hbm>> -> memref<160x128xf32, #tpu.memory_space<hbm>>
        %dma_wait3A_52 = arith.constant 0 : i32
        %dma_wait3A_53 = tpu.memref_slice %arg16[%mul3A_44, %dma_wait3A_52] : memref<2512x128xf32, #tpu.memory_space<vmem_shared>> -> memref<160x128xf32, #tpu.memory_space<vmem_shared>>
        tpu.wait_dma2 semaphore(%run_scoped3A : memref<!tpu.dma_semaphore, #tpu.memory_space<semaphore_mem>>) src(%dma_wait3A_53 : memref<160x128xf32, #tpu.memory_space<vmem_shared>>) dst(%dma_wait3A_51 : memref<160x128xf32, #tpu.memory_space<hbm>>)
        tpu.yield
      }) : () -> ()
    } else {
    }
    %eq3A_28 = arith.constant 15 : i32
    %eq3A_29 = arith.cmpi eq, %arg1, %eq3A_28 : i32
    %convert_element_type3A_30 = arith.extui %eq3A_29 : i1 to i32
    %cond3A_31 = arith.constant 0 : i32
    %cond3A_32 = arith.cmpi ne, %convert_element_type3A_30, %cond3A_31 : i32
    scf.if %cond3A_32 {
      %mul3A_43 = arith.constant 2512 : i32
      %mul3A_44 = arith.muli %arg0, %mul3A_43 : i32
      %add3A_45 = arith.constant 2400 : i32
      %add3A_46 = arith.addi %mul3A_44, %add3A_45 : i32
      "tpu.region"() ({
        %run_scoped3A = tpu.sem_alloc : memref<!tpu.dma_semaphore, #tpu.memory_space<semaphore_mem>>
        %dma_start3A = arith.constant 0 : i32
        %dma_start3A_47 = tpu.memref_slice %arg9[%add3A_46, %dma_start3A] : memref<5024x128xf32, #tpu.memory_space<hbm>> -> memref<112x128xf32, #tpu.memory_space<hbm>>
        %dma_start3A_48 = arith.constant 2400 : i32
        %dma_start3A_49 = arith.constant 0 : i32
        %dma_start3A_50 = tpu.memref_slice %arg16[%dma_start3A_48, %dma_start3A_49] : memref<2512x128xf32, #tpu.memory_space<vmem_shared>> -> memref<112x128xf32, #tpu.memory_space<vmem_shared>>
        tpu.enqueue_dma source(%dma_start3A_50 : memref<112x128xf32, #tpu.memory_space<vmem_shared>>) target(%dma_start3A_47 : memref<112x128xf32, #tpu.memory_space<hbm>>) target_semaphore(%run_scoped3A : memref<!tpu.dma_semaphore, #tpu.memory_space<semaphore_mem>>)
        %dma_wait3A = arith.constant 0 : i32
        %dma_wait3A_51 = tpu.memref_slice %arg9[%add3A_46, %dma_wait3A] : memref<5024x128xf32, #tpu.memory_space<hbm>> -> memref<112x128xf32, #tpu.memory_space<hbm>>
        %dma_wait3A_52 = arith.constant 2400 : i32
        %dma_wait3A_53 = arith.constant 0 : i32
        %dma_wait3A_54 = tpu.memref_slice %arg16[%dma_wait3A_52, %dma_wait3A_53] : memref<2512x128xf32, #tpu.memory_space<vmem_shared>> -> memref<112x128xf32, #tpu.memory_space<vmem_shared>>
        tpu.wait_dma2 semaphore(%run_scoped3A : memref<!tpu.dma_semaphore, #tpu.memory_space<semaphore_mem>>) src(%dma_wait3A_54 : memref<112x128xf32, #tpu.memory_space<vmem_shared>>) dst(%dma_wait3A_51 : memref<112x128xf32, #tpu.memory_space<hbm>>)
        tpu.yield
      }) : () -> ()
    } else {
    }
    %lt3A_33 = arith.constant 15 : i32
    %lt3A_34 = arith.cmpi slt, %arg1, %lt3A_33 : i32
    %convert_element_type3A_35 = arith.extui %lt3A_34 : i1 to i32
    %cond3A_36 = arith.constant 0 : i32
    %cond3A_37 = arith.cmpi ne, %convert_element_type3A_35, %cond3A_36 : i32
    scf.if %cond3A_37 {
      %mul3A_43 = arith.constant 128 : i32
      %mul3A_44 = arith.muli %arg1, %mul3A_43 : i32
      %mul3A_45 = arith.constant 2560 : i32
      %mul3A_46 = arith.muli %arg0, %mul3A_45 : i32
      %add3A_47 = arith.addi %mul3A_46, %mul3A_44 : i32
      "tpu.region"() ({
        %run_scoped3A = tpu.sem_alloc : memref<!tpu.dma_semaphore, #tpu.memory_space<semaphore_mem>>
        %dma_start3A = tpu.memref_slice %arg10[%add3A_47] : memref<5120xf32, #tpu.memory_space<hbm>> -> memref<128xf32, #tpu.memory_space<hbm>>
        %dma_start3A_48 = tpu.memref_slice %arg17[%mul3A_44] : memref<2560xf32, #tpu.memory_space<vmem_shared>> -> memref<128xf32, #tpu.memory_space<vmem_shared>>
        tpu.enqueue_dma source(%dma_start3A_48 : memref<128xf32, #tpu.memory_space<vmem_shared>>) target(%dma_start3A : memref<128xf32, #tpu.memory_space<hbm>>) target_semaphore(%run_scoped3A : memref<!tpu.dma_semaphore, #tpu.memory_space<semaphore_mem>>)
        %dma_wait3A = tpu.memref_slice %arg10[%add3A_47] : memref<5120xf32, #tpu.memory_space<hbm>> -> memref<128xf32, #tpu.memory_space<hbm>>
        %dma_wait3A_49 = tpu.memref_slice %arg17[%mul3A_44] : memref<2560xf32, #tpu.memory_space<vmem_shared>> -> memref<128xf32, #tpu.memory_space<vmem_shared>>
        tpu.wait_dma2 semaphore(%run_scoped3A : memref<!tpu.dma_semaphore, #tpu.memory_space<semaphore_mem>>) src(%dma_wait3A_49 : memref<128xf32, #tpu.memory_space<vmem_shared>>) dst(%dma_wait3A : memref<128xf32, #tpu.memory_space<hbm>>)
        tpu.yield
      }) : () -> ()
    } else {
    }
    %eq3A_38 = arith.constant 15 : i32
    %eq3A_39 = arith.cmpi eq, %arg1, %eq3A_38 : i32
    %convert_element_type3A_40 = arith.extui %eq3A_39 : i1 to i32
    %cond3A_41 = arith.constant 0 : i32
    %cond3A_42 = arith.cmpi ne, %convert_element_type3A_40, %cond3A_41 : i32
    scf.if %cond3A_42 {
      %mul3A_43 = arith.constant 2560 : i32
      %mul3A_44 = arith.muli %arg0, %mul3A_43 : i32
      %add3A_45 = arith.constant 1920 : i32
      %add3A_46 = arith.addi %mul3A_44, %add3A_45 : i32
      "tpu.region"() ({
        %run_scoped3A = tpu.sem_alloc : memref<!tpu.dma_semaphore, #tpu.memory_space<semaphore_mem>>
        %dma_start3A = tpu.memref_slice %arg10[%add3A_46] : memref<5120xf32, #tpu.memory_space<hbm>> -> memref<640xf32, #tpu.memory_space<hbm>>
        %dma_start3A_47 = arith.constant 1920 : i32
        %dma_start3A_48 = tpu.memref_slice %arg17[%dma_start3A_47] : memref<2560xf32, #tpu.memory_space<vmem_shared>> -> memref<640xf32, #tpu.memory_space<vmem_shared>>
        tpu.enqueue_dma source(%dma_start3A_48 : memref<640xf32, #tpu.memory_space<vmem_shared>>) target(%dma_start3A : memref<640xf32, #tpu.memory_space<hbm>>) target_semaphore(%run_scoped3A : memref<!tpu.dma_semaphore, #tpu.memory_space<semaphore_mem>>)
        %dma_wait3A = tpu.memref_slice %arg10[%add3A_46] : memref<5120xf32, #tpu.memory_space<hbm>> -> memref<640xf32, #tpu.memory_space<hbm>>
        %dma_wait3A_49 = arith.constant 1920 : i32
        %dma_wait3A_50 = tpu.memref_slice %arg17[%dma_wait3A_49] : memref<2560xf32, #tpu.memory_space<vmem_shared>> -> memref<640xf32, #tpu.memory_space<vmem_shared>>
        tpu.wait_dma2 semaphore(%run_scoped3A : memref<!tpu.dma_semaphore, #tpu.memory_space<semaphore_mem>>) src(%dma_wait3A_50 : memref<640xf32, #tpu.memory_space<vmem_shared>>) dst(%dma_wait3A : memref<640xf32, #tpu.memory_space<hbm>>)
        tpu.yield
      }) : () -> ()
    } else {
    }
    return
  }
}

module attributes {stable_mosaic.version = 14 : i64} {
  func.func @_tc_h_body(%arg0: i32, %arg1: memref<1000x128xf32, #tpu.memory_space<vmem>>, %arg2: memref<1000x128xf32, #tpu.memory_space<vmem>>, %arg3: memref<1000x128xf32, #tpu.memory_space<vmem>>, %arg4: memref<1000x1xf32, #tpu.memory_space<vmem>>, %arg5: memref<1000x1xf32, #tpu.memory_space<vmem>>, %arg6: memref<1x256x128xf32, #tpu.memory_space<vmem>>, %arg7: memref<1000x128xf32, #tpu.memory_space<vmem>>) attributes {dimension_semantics = [#tpu.dimension_semantics<arbitrary>], iteration_bounds = array<i64: 13>, scalar_prefetch = 0 : i64, scratch_operands = 0 : i64, tpu.core_type = #tpu.core_type<tc>, window_params = [{transform_indices = @transform_0, window_bounds = array<i64: 1000, 128>}, {transform_indices = @transform_1, window_bounds = array<i64: 1000, 128>}, {transform_indices = @transform_2, window_bounds = array<i64: 1000, 128>}, {transform_indices = @transform_3, window_bounds = array<i64: 1000, 1>}, {transform_indices = @transform_4, window_bounds = array<i64: 1000, 1>}, {transform_indices = @transform_5, window_bounds = array<i64: 1, 256, 128>}, {transform_indices = @transform_6, window_bounds = array<i64: 1000, 128>}]} {
    %get3A = arith.constant 0 : index
    %get3A_0 = arith.constant 0 : index
    %get3A_1 = vector.load %arg4[%get3A, %get3A_0] : memref<1000x1xf32, #tpu.memory_space<vmem>>, vector<1000x1xf32>
    %get3A_2 = arith.constant 0 : index
    %get3A_3 = arith.constant 0 : index
    %get3A_4 = vector.load %arg5[%get3A_2, %get3A_3] : memref<1000x1xf32, #tpu.memory_space<vmem>>, vector<1000x1xf32>
    %add3A = arith.addf %get3A_1, %get3A_4 : vector<1000x1xf32>
    %max3A = arith.constant 1.000000e+00 : f32
    %max3A_5 = vector.broadcast %max3A : f32 to vector<1000x1xf32>
    %max3A_6 = arith.maximumf %add3A, %max3A_5 : vector<1000x1xf32>
    %get3A_7 = arith.constant 0 : index
    %get3A_8 = arith.constant 0 : index
    %get3A_9 = vector.load %arg2[%get3A_7, %get3A_8] : memref<1000x128xf32, #tpu.memory_space<vmem>>, vector<1000x128xf32>
    %get3A_10 = arith.constant 0 : index
    %get3A_11 = arith.constant 0 : index
    %get3A_12 = vector.load %arg3[%get3A_10, %get3A_11] : memref<1000x128xf32, #tpu.memory_space<vmem>>, vector<1000x128xf32>
    %add3A_13 = arith.addf %get3A_9, %get3A_12 : vector<1000x128xf32>
    %div3A = vector.broadcast %max3A_6 : vector<1000x1xf32> to vector<1000x128xf32>
    %div3A_14 = arith.divf %add3A_13, %div3A : vector<1000x128xf32>
    %get3A_15 = arith.constant 0 : index
    %get3A_16 = arith.constant 0 : index
    %get3A_17 = vector.load %arg1[%get3A_15, %get3A_16] : memref<1000x128xf32, #tpu.memory_space<vmem>>, vector<1000x128xf32>
    %concatenate3A = tpu.concatenate %get3A_17, %div3A_14 in 1 : vector<1000x128xf32>, vector<1000x128xf32> -> vector<1000x256xf32>
    %get3A_18 = arith.constant 0 : index
    %get3A_19 = arith.constant 0 : index
    %get3A_20 = arith.constant 0 : index
    %get3A_21 = vector.load %arg6[%get3A_18, %get3A_19, %get3A_20] : memref<1x256x128xf32, #tpu.memory_space<vmem>>, vector<1x256x128xf32>
    %get3A_22 = vector.shape_cast %get3A_21 : vector<1x256x128xf32> to vector<256x128xf32>
    %dot_general3A = arith.constant dense<0.000000e+00> : vector<1000x128xf32>
    %dot_general3A_23 = tpu.matmul %concatenate3A, %get3A_22, %dot_general3A {dimension_numbers = #tpu.dot_dimension_numbers<[1], [0], [0], [1], [0, 0, 1, 1], [], []>, transpose_lhs_hint = false} : vector<1000x256xf32>, vector<256x128xf32>, vector<1000x128xf32> -> vector<1000x128xf32>
    %max3A_24 = arith.constant 0.000000e+00 : f32
    %max3A_25 = vector.broadcast %max3A_24 : f32 to vector<1000x128xf32>
    %max3A_26 = arith.maximumf %dot_general3A_23, %max3A_25 : vector<1000x128xf32>
    %swap3A = arith.constant 0 : index
    %swap3A_27 = arith.constant 0 : index
    %swap3A_28 = vector.load %arg7[%swap3A, %swap3A_27] : memref<1000x128xf32, #tpu.memory_space<vmem>>, vector<1000x128xf32>
    tpu.vector_store %arg7[%swap3A, %swap3A_27], %max3A_26 {strides = array<i32>} : memref<1000x128xf32, #tpu.memory_space<vmem>>, vector<1000x128xf32>,
    return
  }
  func.func @transform_0(%arg0: i32) -> (i32, i32) {
    %c0_i32 = arith.constant 0 : i32
    %c0_i32_0 = arith.constant 0 : i32
    return %arg0, %c0_i32 : i32, i32
  }
  func.func @transform_1(%arg0: i32) -> (i32, i32) {
    %c0_i32 = arith.constant 0 : i32
    %c0_i32_0 = arith.constant 0 : i32
    return %arg0, %c0_i32 : i32, i32
  }
  func.func @transform_2(%arg0: i32) -> (i32, i32) {
    %add3A = arith.constant 13 : i32
    %add3A_0 = arith.addi %arg0, %add3A : i32
    %c0_i32 = arith.constant 0 : i32
    %c0_i32_1 = arith.constant 0 : i32
    return %add3A_0, %c0_i32 : i32, i32
  }
  func.func @transform_3(%arg0: i32) -> (i32, i32) {
    %c0_i32 = arith.constant 0 : i32
    %c0_i32_0 = arith.constant 0 : i32
    return %arg0, %c0_i32 : i32, i32
  }
  func.func @transform_4(%arg0: i32) -> (i32, i32) {
    %add3A = arith.constant 13 : i32
    %add3A_0 = arith.addi %arg0, %add3A : i32
    %c0_i32 = arith.constant 0 : i32
    %c0_i32_1 = arith.constant 0 : i32
    return %add3A_0, %c0_i32 : i32, i32
  }
  func.func @transform_5(%arg0: i32) -> (i32, i32, i32) {
    %jit3A = arith.constant 10 : i32
    %div3A = arith.divsi %arg0, %jit3A : i32
    %sign3A = arith.constant 0 : i32
    %sign3A_0 = arith.cmpi sgt, %arg0, %sign3A : i32
    %sign3A_1 = arith.extui %sign3A_0 : i1 to i32
    %sign3A_2 = arith.constant 0 : i32
    %sign3A_3 = arith.cmpi slt, %arg0, %sign3A_2 : i32
    %sign3A_4 = arith.extui %sign3A_3 : i1 to i32
    %sign3A_5 = arith.subi %sign3A_1, %sign3A_4 : i32
    %sign3A_6 = arith.constant 0 : i32
    %sign3A_7 = arith.cmpi sgt, %jit3A, %sign3A_6 : i32
    %sign3A_8 = arith.extui %sign3A_7 : i1 to i32
    %sign3A_9 = arith.constant 0 : i32
    %sign3A_10 = arith.cmpi slt, %jit3A, %sign3A_9 : i32
    %sign3A_11 = arith.extui %sign3A_10 : i1 to i32
    %sign3A_12 = arith.subi %sign3A_8, %sign3A_11 : i32
    %ne3A = arith.cmpi ne, %sign3A_5, %sign3A_12 : i32
    %rem3A = arith.remsi %arg0, %jit3A : i32
    %ne3A_13 = arith.constant 0 : i32
    %ne3A_14 = arith.cmpi ne, %rem3A, %ne3A_13 : i32
    %and3A = arith.andi %ne3A, %ne3A_14 : i1
    %sub3A = arith.constant 1 : i32
    %sub3A_15 = arith.subi %div3A, %sub3A : i32
    %select_n3A = arith.select %and3A, %sub3A_15, %div3A : i32
    %min3A = arith.constant 1 : i32
    %min3A_16 = arith.minsi %select_n3A, %min3A : i32
    %c0_i32 = arith.constant 0 : i32
    %c0_i32_17 = arith.constant 0 : i32
    %c0_i32_18 = arith.constant 0 : i32
    return %min3A_16, %c0_i32, %c0_i32_17 : i32, i32, i32
  }
  func.func @transform_6(%arg0: i32) -> (i32, i32) {
    %c0_i32 = arith.constant 0 : i32
    %c0_i32_0 = arith.constant 0 : i32
    return %arg0, %c0_i32 : i32, i32
  }
}

module attributes {stable_mosaic.version = 14 : i64} {
  func.func @_tc_out_mean_body(%arg0: i32, %arg1: memref<2500x128xf32, #tpu.memory_space<vmem>>, %arg2: memref<2500x128xf32, #tpu.memory_space<vmem>>, %arg3: memref<2500x128xf32, #tpu.memory_space<vmem>>, %arg4: memref<2500x128xf32, #tpu.memory_space<vmem>>, %arg5: memref<2500x1xf32, #tpu.memory_space<vmem>>, %arg6: memref<2500x1xf32, #tpu.memory_space<vmem>>, %arg7: memref<256x128xf32, #tpu.memory_space<vmem>>, %arg8: memref<2500x128xf32, #tpu.memory_space<vmem>>) attributes {dimension_semantics = [#tpu.dimension_semantics<arbitrary>], iteration_bounds = array<i64: 1>, scalar_prefetch = 0 : i64, scratch_operands = 0 : i64, tpu.core_type = #tpu.core_type<tc>, window_params = [{transform_indices = @transform_0, window_bounds = array<i64: 2500, 128>}, {transform_indices = @transform_1, window_bounds = array<i64: 2500, 128>}, {transform_indices = @transform_2, window_bounds = array<i64: 2500, 128>}, {transform_indices = @transform_3, window_bounds = array<i64: 2500, 128>}, {transform_indices = @transform_4, window_bounds = array<i64: 2500, 1>}, {transform_indices = @transform_5, window_bounds = array<i64: 2500, 1>}, {pipeline_mode = #tpu.pipeline_mode<synchronous>, transform_indices = @transform_6, window_bounds = array<i64: 256, 128>}, {transform_indices = @transform_7, window_bounds = array<i64: 2500, 128>}]} {
    %get3A = arith.constant 0 : index
    %get3A_0 = arith.constant 0 : index
    %get3A_1 = vector.load %arg5[%get3A, %get3A_0] : memref<2500x1xf32, #tpu.memory_space<vmem>>, vector<2500x1xf32>
    %get3A_2 = arith.constant 0 : index
    %get3A_3 = arith.constant 0 : index
    %get3A_4 = vector.load %arg6[%get3A_2, %get3A_3] : memref<2500x1xf32, #tpu.memory_space<vmem>>, vector<2500x1xf32>
    %add3A = arith.addf %get3A_1, %get3A_4 : vector<2500x1xf32>
    %max3A = arith.constant 1.000000e+00 : f32
    %max3A_5 = vector.broadcast %max3A : f32 to vector<2500x1xf32>
    %max3A_6 = arith.maximumf %add3A, %max3A_5 : vector<2500x1xf32>
    %get3A_7 = arith.constant 0 : index
    %get3A_8 = arith.constant 0 : index
    %get3A_9 = vector.load %arg3[%get3A_7, %get3A_8] : memref<2500x128xf32, #tpu.memory_space<vmem>>, vector<2500x128xf32>
    %get3A_10 = arith.constant 0 : index
    %get3A_11 = arith.constant 0 : index
    %get3A_12 = vector.load %arg4[%get3A_10, %get3A_11] : memref<2500x128xf32, #tpu.memory_space<vmem>>, vector<2500x128xf32>
    %add3A_13 = arith.addf %get3A_9, %get3A_12 : vector<2500x128xf32>
    %div3A = vector.broadcast %max3A_6 : vector<2500x1xf32> to vector<2500x128xf32>
    %div3A_14 = arith.divf %add3A_13, %div3A : vector<2500x128xf32>
    %get3A_15 = arith.constant 0 : index
    %get3A_16 = arith.constant 0 : index
    %get3A_17 = vector.load %arg2[%get3A_15, %get3A_16] : memref<2500x128xf32, #tpu.memory_space<vmem>>, vector<2500x128xf32>
    %concatenate3A = tpu.concatenate %get3A_17, %div3A_14 in 1 : vector<2500x128xf32>, vector<2500x128xf32> -> vector<2500x256xf32>
    %get3A_18 = arith.constant 0 : index
    %get3A_19 = arith.constant 0 : index
    %get3A_20 = vector.load %arg7[%get3A_18, %get3A_19] : memref<256x128xf32, #tpu.memory_space<vmem>>, vector<256x128xf32>
    %dot_general3A = arith.constant dense<0.000000e+00> : vector<2500x128xf32>
    %dot_general3A_21 = tpu.matmul %concatenate3A, %get3A_20, %dot_general3A {dimension_numbers = #tpu.dot_dimension_numbers<[1], [0], [0], [1], [0, 0, 1, 1], [], []>, transpose_lhs_hint = false} : vector<2500x256xf32>, vector<256x128xf32>, vector<2500x128xf32> -> vector<2500x128xf32>
    %max3A_22 = arith.constant 0.000000e+00 : f32
    %max3A_23 = vector.broadcast %max3A_22 : f32 to vector<2500x128xf32>
    %max3A_24 = arith.maximumf %dot_general3A_21, %max3A_23 : vector<2500x128xf32>
    %get3A_25 = arith.constant 0 : index
    %get3A_26 = arith.constant 0 : index
    %get3A_27 = vector.load %arg1[%get3A_25, %get3A_26] : memref<2500x128xf32, #tpu.memory_space<vmem>>, vector<2500x128xf32>
    %get3A_28 = arith.constant 0 : index
    %get3A_29 = arith.constant 0 : index
    %get3A_30 = vector.load %arg2[%get3A_28, %get3A_29] : memref<2500x128xf32, #tpu.memory_space<vmem>>, vector<2500x128xf32>
    %add3A_31 = arith.addf %get3A_30, %max3A_24 : vector<2500x128xf32>
    %mul3A = arith.constant 5.000000e-01 : f32
    %mul3A_32 = vector.broadcast %mul3A : f32 to vector<2500x128xf32>
    %mul3A_33 = arith.mulf %mul3A_32, %add3A_31 : vector<2500x128xf32>
    %add3A_34 = arith.addf %get3A_27, %mul3A_33 : vector<2500x128xf32>
    %swap3A = arith.constant 0 : index
    %swap3A_35 = arith.constant 0 : index
    %swap3A_36 = vector.load %arg8[%swap3A, %swap3A_35] : memref<2500x128xf32, #tpu.memory_space<vmem>>, vector<2500x128xf32>
    tpu.vector_store %arg8[%swap3A, %swap3A_35], %add3A_34 {strides = array<i32>} : memref<2500x128xf32, #tpu.memory_space<vmem>>, vector<2500x128xf32>,
    return
  }
  func.func @transform_0(%arg0: i32) -> (i32, i32) {
    %c0_i32 = arith.constant 0 : i32
    %c0_i32_0 = arith.constant 0 : i32
    return %arg0, %c0_i32 : i32, i32
  }
  func.func @transform_1(%arg0: i32) -> (i32, i32) {
    %c0_i32 = arith.constant 0 : i32
    %c0_i32_0 = arith.constant 0 : i32
    return %arg0, %c0_i32 : i32, i32
  }
  func.func @transform_2(%arg0: i32) -> (i32, i32) {
    %c0_i32 = arith.constant 0 : i32
    %c0_i32_0 = arith.constant 0 : i32
    return %arg0, %c0_i32 : i32, i32
  }
  func.func @transform_3(%arg0: i32) -> (i32, i32) {
    %c0_i32 = arith.constant 0 : i32
    %c0_i32_0 = arith.constant 0 : i32
    return %arg0, %c0_i32 : i32, i32
  }
  func.func @transform_4(%arg0: i32) -> (i32, i32) {
    %c0_i32 = arith.constant 0 : i32
    %c0_i32_0 = arith.constant 0 : i32
    return %arg0, %c0_i32 : i32, i32
  }
  func.func @transform_5(%arg0: i32) -> (i32, i32) {
    %c0_i32 = arith.constant 0 : i32
    %c0_i32_0 = arith.constant 0 : i32
    return %arg0, %c0_i32 : i32, i32
  }
  func.func @transform_6(%arg0: i32) -> (i32, i32) {
    %c0_i32 = arith.constant 0 : i32
    %c0_i32_0 = arith.constant 0 : i32
    %c0_i32_1 = arith.constant 0 : i32
    return %c0_i32, %c0_i32_0 : i32, i32
  }
  func.func @transform_7(%arg0: i32) -> (i32, i32) {
    %c0_i32 = arith.constant 0 : i32
    %c0_i32_0 = arith.constant 0 : i32
    return %arg0, %c0_i32 : i32, i32
  }
}

module attributes {stable_mosaic.version = 14 : i64} {
  func.func @_tc_out_gather_body(%arg0: i32, %arg1: memref<1000x128xf32, #tpu.memory_space<vmem>>, %arg2: memref<1000x128xf32, #tpu.memory_space<vmem>>, %arg3: memref<1000x128xf32, #tpu.memory_space<vmem>>, %arg4: memref<256x128xf32, #tpu.memory_space<vmem>>, %arg5: memref<1000x128xf32, #tpu.memory_space<vmem>>) attributes {dimension_semantics = [#tpu.dimension_semantics<arbitrary>], iteration_bounds = array<i64: 10>, scalar_prefetch = 0 : i64, scratch_operands = 0 : i64, tpu.core_type = #tpu.core_type<tc>, window_params = [{transform_indices = @transform_0, window_bounds = array<i64: 1000, 128>}, {transform_indices = @transform_1, window_bounds = array<i64: 1000, 128>}, {transform_indices = @transform_2, window_bounds = array<i64: 1000, 128>}, {pipeline_mode = #tpu.pipeline_mode<synchronous>, transform_indices = @transform_3, window_bounds = array<i64: 256, 128>}, {transform_indices = @transform_4, window_bounds = array<i64: 1000, 128>}]} {
    %get3A = arith.constant 0 : index
    %get3A_0 = arith.constant 0 : index
    %get3A_1 = vector.load %arg2[%get3A, %get3A_0] : memref<1000x128xf32, #tpu.memory_space<vmem>>, vector<1000x128xf32>
    %get3A_2 = arith.constant 0 : index
    %get3A_3 = arith.constant 0 : index
    %get3A_4 = vector.load %arg3[%get3A_2, %get3A_3] : memref<1000x128xf32, #tpu.memory_space<vmem>>, vector<1000x128xf32>
    %concatenate3A = tpu.concatenate %get3A_1, %get3A_4 in 1 : vector<1000x128xf32>, vector<1000x128xf32> -> vector<1000x256xf32>
    %get3A_5 = arith.constant 0 : index
    %get3A_6 = arith.constant 0 : index
    %get3A_7 = vector.load %arg4[%get3A_5, %get3A_6] : memref<256x128xf32, #tpu.memory_space<vmem>>, vector<256x128xf32>
    %dot_general3A = arith.constant dense<0.000000e+00> : vector<1000x128xf32>
    %dot_general3A_8 = tpu.matmul %concatenate3A, %get3A_7, %dot_general3A {dimension_numbers = #tpu.dot_dimension_numbers<[1], [0], [0], [1], [0, 0, 1, 1], [], []>, transpose_lhs_hint = false} : vector<1000x256xf32>, vector<256x128xf32>, vector<1000x128xf32> -> vector<1000x128xf32>
    %max3A = arith.constant 0.000000e+00 : f32
    %max3A_9 = vector.broadcast %max3A : f32 to vector<1000x128xf32>
    %max3A_10 = arith.maximumf %dot_general3A_8, %max3A_9 : vector<1000x128xf32>
    %get3A_11 = arith.constant 0 : index
    %get3A_12 = arith.constant 0 : index
    %get3A_13 = vector.load %arg1[%get3A_11, %get3A_12] : memref<1000x128xf32, #tpu.memory_space<vmem>>, vector<1000x128xf32>
    %get3A_14 = arith.constant 0 : index
    %get3A_15 = arith.constant 0 : index
    %get3A_16 = vector.load %arg2[%get3A_14, %get3A_15] : memref<1000x128xf32, #tpu.memory_space<vmem>>, vector<1000x128xf32>
    %add3A = arith.addf %get3A_16, %max3A_10 : vector<1000x128xf32>
    %mul3A = arith.constant 5.000000e-01 : f32
    %mul3A_17 = vector.broadcast %mul3A : f32 to vector<1000x128xf32>
    %mul3A_18 = arith.mulf %mul3A_17, %add3A : vector<1000x128xf32>
    %add3A_19 = arith.addf %get3A_13, %mul3A_18 : vector<1000x128xf32>
    %swap3A = arith.constant 0 : index
    %swap3A_20 = arith.constant 0 : index
    %swap3A_21 = vector.load %arg5[%swap3A, %swap3A_20] : memref<1000x128xf32, #tpu.memory_space<vmem>>, vector<1000x128xf32>
    tpu.vector_store %arg5[%swap3A, %swap3A_20], %add3A_19 {strides = array<i32>} : memref<1000x128xf32, #tpu.memory_space<vmem>>, vector<1000x128xf32>,
    return
  }
  func.func @transform_0(%arg0: i32) -> (i32, i32) {
    %c0_i32 = arith.constant 0 : i32
    %c0_i32_0 = arith.constant 0 : i32
    return %arg0, %c0_i32 : i32, i32
  }
  func.func @transform_1(%arg0: i32) -> (i32, i32) {
    %c0_i32 = arith.constant 0 : i32
    %c0_i32_0 = arith.constant 0 : i32
    return %arg0, %c0_i32 : i32, i32
  }
  func.func @transform_2(%arg0: i32) -> (i32, i32) {
    %c0_i32 = arith.constant 0 : i32
    %c0_i32_0 = arith.constant 0 : i32
    return %arg0, %c0_i32 : i32, i32
  }
  func.func @transform_3(%arg0: i32) -> (i32, i32) {
    %c0_i32 = arith.constant 0 : i32
    %c0_i32_0 = arith.constant 0 : i32
    %c0_i32_1 = arith.constant 0 : i32
    return %c0_i32, %c0_i32_0 : i32, i32
  }
  func.func @transform_4(%arg0: i32) -> (i32, i32) {
    %c0_i32 = arith.constant 0 : i32
    %c0_i32_0 = arith.constant 0 : i32
    return %arg0, %c0_i32 : i32, i32
  }
}

</mosaic_0001>

<sc_bundles>
// kernel: kernel.10.cloned.1.call-start
scs
__scs_entry_jumppad:
0x0: {  	(pc) =	sbr.rel $0x88, $3  }
0x1: {  	(tag) =	ssettag $0x0;
	lr =	simm.s32 $0x1  }
0x2: {  	[smem:$0x3F96] =	sst lr;
	_ =	strace $0xD0000000  }
0x3: {  	_ = 	snop  }
0x4: {  	_ = 	snop  }
0x5: {  	_ = 	snop  }
0x6: {  	_ = 	snop  }
0x7: {  	_ = 	snop  }
__scs_overlays_trampoline_lowered:
0x8: {  	[smem:$0x3FA5] =	sst s0  }
0x9: {  	[smem:$0x3FA6] =	sst s1  }
0xa: {  	[smem:$0x3FA7] =	sst s2  }
0xb: {  	[smem:$0x3FA8] =	sst s3  }
0xc: {  	[smem:$0x3FA9] =	sst s4  }
0xd: {  	[smem:$0x3FAA] =	sst s5  }
0xe: {  	[smem:$0x3FAB] =	sst s6  }
0xf: {  	[smem:$0x3FAC] =	sst s7  }
0x10: {  	[smem:$0x3FAD] =	sst s8  }
0x11: {  	[smem:$0x3FAE] =	sst s9;
	s0 =	simm.s32 @!p0 $0x0  }
0x12: {  	s1 =	sld [smem:$0x3F94];
	s0 =	simm.s32 @p0 $0x1  }
0x13: {  	[smem:$0x3FAF] =	sst s0;
	s0 =	simm.s32 @!p1 $0x0  }
0x14: {  	s2 =	sld [smem:$0x3F93];
	s0 =	simm.s32 @p1 $0x1  }
0x15: {  	[smem:$0x3FB0] =	sst s0;
	s0 =	simm.s32 @!p2 $0x0  }
0x16: {  	s3 =	sld [smem:$0x3FDB];
	s0 =	simm.s32 @p2 $0x1  }
0x17: {  	s4 =	simm.s32 $0x1BF5;
	[smem:$0x3FB2] =	sst s0  }
0x18: {  	s0 =	sld [smem:$0x3F95];
	_ =	swait.ge [sflag:s4], $0x0  }
0x19: {  	s7 =	sld [smem:$0x3F96]  }
0x1a: {  	s8 =	sadd.s32 $0xFFFFE003, lr  }
0x1b: {  	s9 =	sadd.s32 $0xFFFFFEF7, lr;
	s5 =	simm.s32 $0xFFFFFFFF;
	p2 =	slt.u32 s8, $0xFFFFF086  }
0x1c: {  	p1 =	slt.u32 s9, $0xF7A;
	s5 =	simm.s32 @!p2 $0x0  }
0x1d: {  	s5 =	simm.s32 @p1 $0x1;
	p0 =	seq.s32 s7, s2  }
0x1e: {  	s7 =	smul.u32 @!p0 $0xF7A, s2;
	p2 =	seq.s32 @!p0 s5, $0x0  }
0x1f: {  	s9 =	smul.u32 $0xF7A, s1;
	s8 =	simm.s32 @!p0 $0x1BF5;
	p2 =	por !p2, p0  }
0x20: {  	[sflag:s8] =	ssyncset.s32 @!p0 $0xFFFFF086;
	s6 =	sadd.s32 @!p0 s3, s7;
	s7 =	simm.s32 @!p0 $0x108  }
0x21: {  	s3 =	sadd.s32 s3, s9;
	s6 =	sadd.s32 @!p0 $0x88, s6;
	s7 =	simm.s32 @p2 $0x1082  }
0x22: {  	[simem:s7], [sflag:s8] =	dma.local @!p0 [hbm:s6], $0xF7A  }
0x23: {  	s9 =	sor.u32 $0xD0000000, s2;
	s6 =	simm.s32 $0x108;
	_ =	swait.ge @!p0 [sflag:s8], $0x0  }
0x24: {  	s3 =	sadd.s32 $0x88, s3;
	s6 =	simm.s32 @!p1 $0x1082;
	[sflag:s4] =	ssyncset.s32 $0xFFFFF086  }
0x25: {  	[simem:s6], [sflag:s4] =	dma.local [hbm:s3], $0xF7A  }
0x26: {  	[smem:$0x3F96] =	sst s1;
	(tag) =	ssettag s2;
	_ =	strace s9  }
0x27: {  	s1 =	sld [smem:$0x3FA6]  }
0x28: {  	s2 =	sld [smem:$0x3FA7]  }
0x29: {  	s4 =	sld [smem:$0x3FA9]  }
0x2a: {  	p0 =	seq.s32 s5, $0x0;
	s5 =	sld [smem:$0x3FAA]  }
0x2b: {  	s6 =	sld [smem:$0x3FAB]  }
0x2c: {  	s7 =	sld [smem:$0x3FAC]  }
0x2d: {  	s3 =	simm.s32 $0x108;
	s8 =	sld [smem:$0x3FAD]  }
0x2e: {  	s3 =	simm.s32 @!p0 $0x1082;
	s9 =	sld [smem:$0x3FAE]  }
0x2f: {  	lr =	sadd.s32 s0, s3;
	s0 =	sld [smem:$0x3FA5]  }
0x30: {  	s3 =	sld [smem:$0x3FA8]  }
0x31: {  	[smem:$0x3FB1] =	sst s10  }
0x32: {  	s10 =	sld [smem:$0x3FAF];
	_ =	sdelay $0x3  }
0x33: {  	p0 =	seq.s32 s10, $0x1;
	s10 =	sld [smem:$0x3FB1];
	_ =	sdelay $0x3  }
0x34: {  	[smem:$0x3FB1] =	sst s10  }
0x35: {  	s10 =	sld [smem:$0x3FB0];
	_ =	sdelay $0x3  }
0x36: {  	p1 =	seq.s32 s10, $0x1;
	s10 =	sld [smem:$0x3FB1];
	_ =	sdelay $0x3  }
0x37: {  	[smem:$0x3FB1] =	sst s10  }
0x38: {  	s10 =	sld [smem:$0x3FB2]  }
0x39: {  	_ = 	snop;
	(pc) =	sbr.ind lr, $3  }
0x3a: {  	_ = 	snop  }
0x3b: {  	_ = 	snop  }
0x3c: {  	p2 =	seq.s32 s10, $0x1;
	s10 =	sld [smem:$0x3FB1]  }
0x3d: {  	_ =	shalt  }
0x3e: {  	_ =	shalt  }
0x3f: {  	_ =	shalt  }
0x40: {  	_ =	shalt  }
0x41: {  	_ =	shalt  }
0x42: {  	_ =	shalt  }
0x43: {  	_ =	shalt  }
0x44: {  	_ =	shalt  }
0x45: {  	_ =	shalt  }
0x46: {  	_ =	shalt  }
0x47: {  	_ =	shalt  }
0x48: {  	_ =	shalt  }
0x49: {  	_ =	shalt  }
0x4a: {  	_ =	shalt  }
0x4b: {  	_ =	shalt  }
0x4c: {  	_ =	shalt  }
0x4d: {  	_ =	shalt  }
0x4e: {  	_ =	shalt  }
0x4f: {  	_ =	shalt  }
0x50: {  	_ =	shalt  }
0x51: {  	_ =	shalt  }
0x52: {  	_ =	shalt  }
0x53: {  	_ =	shalt  }
0x54: {  	_ =	shalt  }
0x55: {  	_ =	shalt  }
0x56: {  	_ =	shalt  }
0x57: {  	_ =	shalt  }
0x58: {  	_ =	shalt  }
0x59: {  	_ =	shalt  }
0x5a: {  	_ =	shalt  }
0x5b: {  	_ =	shalt  }
0x5c: {  	_ =	shalt  }
0x5d: {  	_ =	shalt  }
0x5e: {  	_ =	shalt  }
0x5f: {  	_ =	shalt  }
0x60: {  	_ =	shalt  }
0x61: {  	_ =	shalt  }
0x62: {  	_ =	shalt  }
0x63: {  	_ =	shalt  }
0x64: {  	_ =	shalt  }
0x65: {  	_ =	shalt  }
0x66: {  	_ =	shalt  }
0x67: {  	_ =	shalt  }
0x68: {  	_ =	shalt  }
0x69: {  	_ =	shalt  }
0x6a: {  	_ =	shalt  }
0x6b: {  	_ =	shalt  }
0x6c: {  	_ =	shalt  }
0x6d: {  	_ =	shalt  }
0x6e: {  	_ =	shalt  }
0x6f: {  	_ =	shalt  }
0x70: {  	_ =	shalt  }
0x71: {  	_ =	shalt  }
0x72: {  	_ =	shalt  }
0x73: {  	_ =	shalt  }
0x74: {  	_ =	shalt  }
0x75: {  	_ =	shalt  }
0x76: {  	_ =	shalt  }
0x77: {  	_ =	shalt  }
0x78: {  	_ =	shalt  }
0x79: {  	_ =	shalt  }
0x7a: {  	_ =	shalt  }
0x7b: {  	_ =	shalt  }
0x7c: {  	_ =	shalt  }
0x7d: {  	_ =	shalt  }
0x7e: {  	_ =	shalt  }
0x7f: {  	_ =	shalt  }
0x80: {  	_ =	shalt  }
0x81: {  	_ =	shalt  }
0x82: {  	_ =	shalt  }
0x83: {  	_ =	shalt  }
0x84: {  	_ =	shalt  }
0x85: {  	_ =	shalt  }
0x86: {  	_ =	shalt  }
0x87: {  	_ =	shalt  }
.Lfunc_end0:
.L_simem_size_0:
called_computation.1_lowered:
.L_overlay_start_0:
0x88: {  	s2 =	sld [smem:$0x3FD9]  }
0x89: {  	s3 =	sld [smem:$0x3FFE];
	_ =	sdelay $0x1  }
0x8a: {  	s1 =	srdreg.scid  }
0x8b: {  	s0 =	sand.u32 $0x1, s1  }
0x8c: {  	s14 =	sshll.u32 s0, $0xA;
	s2 =	sadd.s32 s3, s2  }
0x8d: {  	s2 =	sadd.s32 s2, s14  }
0x8e: {  	[smem:$0x3FBD] =	sst s2  }
0x8f: {  	_ = 	snop  }
0x90: {  	s2 =	sld [smem:$0x3FD0];
	_ =	sdelay $0x2  }
0x91: {  	s15 =	simm.s32 $0xA;
	s4 =	simm.s32 $0x10  }
0x92: {  	[smem:s4], [sflag:s15] =	dma.local [hbm:s2], $0x1  }
0x93: {  	_ =	swait.eq [sflag:s15], $0x1  }
0x94: {  	[sflag:s15] =	ssyncset.done $0x0  }
0x95: {  	s16 =	sld [smem:$0x10];
	[sflag:s15] =	ssyncadd.s32 $0xFFFFFFFF  }
0x96: {  	s17 =	sld [smem:$0x11];
	(tm) =	ssettm $0x1  }
0x97: {  	s18 =	sld [smem:$0x3FFB];
	_ =	sdelay $0x3  }
0x98: {  	_ =	strace s18  }
0x99: {  	s4 =	sld [smem:$0x3FFC];
	_ =	sdelay $0x3  }
0x9a: {  	_ =	strace s4  }
0x9b: {  	s4 =	sld [smem:$0x3FFD];
	_ =	sdelay $0x3  }
0x9c: {  	_ =	strace s4  }
0x9d: {  	_ =	strace $0x8FFFFFFF  }
0x9e: {  	s19 =	sld [smem:$0x3FDB];
	_ =	sdelay $0x1  }
0x9f: {  	s5 =	simm.s32 $_scs_section_size  }
0xa0: {  	s6 =	simm.s32 $_size__tile_overlayer_lowered;
	s7 =	simm.s32 $_tile_overlayer_lowered  }
0xa1: {  	s22 =	simm.s32 $0x1BFF;
	s21 =	sshll.u32 s7, $0x1;
	s4 =	sadd.s32 s5, s19  }
0xa2: {  	s8 =	simm.s32 $0x0;
	s20 =	sshll.u32 s6, $0x1;
	s6 =	sadd.s32 s21, s4  }
0xa3: {  	[timem:s8], [sflag:s22] =	dma.local [hbm:s6], s20  }
0xa4: {  	_ =	swait.ge [sflag:s22], s20  }
0xa5: {  	s5 =	ssub.s32 $0x0, s20;
	[sflag:s22] =	ssyncset.done $0x0  }
0xa6: {  	[sflag:s22] =	ssyncadd.s32 s5;
	_ =	sdelay $0x1  }
0xa7: {  	s23 =	simm.s32 $0x1B8B  }
0xa8: {  	_ =	swait.ge [sflag:s23], $0x1  }
0xa9: {  	[sflag:s23] =	ssyncset.done $0x0  }
0xaa: {  	s25 =	simm.s32 $0x1B8E;
	s24 =	sld [smem:$0x3FFE];
	[sflag:s23] =	ssyncadd.s32 $0xFFFFFFFF  }
0xab: {  	s26 =	simm.s32 $execute0_lowered;
	[smem:$0x3FD2] =	sst s25  }
0xac: {  	s6 =	sshll.u32 s26, $0x1;
	_ =	strace $0x80000049;
	[dreg:$0x1] =	wrdreg $0xFFFFFFFF  }
0xad: {  	s28 =	simm.s32 $_size_execute0_lowered;
	s4 =	sadd.s32 s4, s6;
	[dreg:$0x0] =	wrdreg $0x0  }
0xae: {  	s6 =	sshll.u32 s28, $0x1;
	[dreg:$0x2] =	wrdreg s4  }
0xaf: {  	[dreg:$0x3] =	wrdreg s6  }
0xb0: {  	[dreg:$0x4] =	wrdreg $0xC0  }
0xb1: {  	_ =	task [dreg:s8], $0x5FFFF  }
0xb2: {  	[dreg:$0x1] =	wrdreg $0xFFFFFFFF  }
0xb3: {  	[dreg:$0x0] =	wrdreg $0x60  }
0xb4: {  	[dreg:$0x2] =	wrdreg s24  }
0xb5: {  	[dreg:$0x3] =	wrdreg s17  }
0xb6: {  	[dreg:$0x4] =	wrdreg s16  }
0xb7: {  	[dreg:$0x5] =	wrdreg $0x51800  }
0xb8: {  	[dreg:$0x6] =	wrdreg $0xA0000  }
0xb9: {  	[dreg:$0x7] =	wrdreg $0x9  }
0xba: {  	_ =	task.clear_ibuf [dreg:s8], $0x8FFFF;
	_ =	strace $0x90000049  }
0xbb: {  	s29 =	simm.s32 $0x9;
	_ =	strace $0x8000004B  }
0xbc: {  	_ =	swait.ge [sflag:s29], $0x1  }
0xbd: {  	[sflag:s29] =	ssyncadd.s32 $0xFFFFFFFF  }
0xbe: {  	_ =	strace $0x9000004B  }
0xbf: {  	_ =	sfence  }
0xc0: {  	s30 =	sld [smem:$0x0];
	_ =	sdelay $0x2  }
0xc1: {  	s31 =	sshll.u32 s1, $0xD;
	s1 =	sshrl.u32 s1, $0x2  }
0xc2: {  	s3 =	sand.u32 $0x4000, s31;
	s1 =	sadd.s32 s1, s30  }
0xc3: {  	s0 =	sor.u32 s3, s0;
	s1 =	sshll.u32 s1, $0x11  }
0xc4: {  	s0 =	sor.u32 s1, s0  }
0xc5: {  	s0 =	sadd.s32 $0x8F2B, s0  }
0xc6: {  	[sflag:s0] =	ssyncadd.remote.s32 $0x1  }
0xc7: {  	_ =	sfence.sel $0xFFFF  }
0xc8: {  	[dreg:$0x0] =	wrdreg $0xFFFFFFFF;
	(pc) =	sbr.abs _section_cstart, $3  }
0xc9: {  	[dreg:$0x1] =	wrdreg $0xFFFFFFFF  }
0xca: {  	_ =	task.clear_ibuf [dreg:s8], $0x2FFFF;
	_ =	strace $0x9FFFFFFF  }
0xcb: {  	(tm) =	ssettm $0x7FFFFFFF  }
tec
execute0_lowered:
.L_overlay_start_1:
0x0: {  	(tag) =	ssettag $0x1  }
0x1: {  	s0 =	rddreg [dreg:$0x0]  }
0x2: {  	s1 =	rddreg [dreg:$0x2]  }
0x3: {  	s3 =	rddreg [dreg:$0x3]  }
0x4: {  	s4 =	rddreg [dreg:$0x4]  }
0x5: {  	s2 =	simm.s32 $0x0;
	s12 =	stileid.u32;
	s5 =	srdreg.scid  }
0x6: {  	[smem:$0x7FF] =	sst s2;
	s18 =	smul.u32 $0x14, s12  }
0x7: {  	s6 =	sadd.s32 $0x2200, s0;
	s5 =	sand.u32 $0x1, s5;
	s7 =	sadd.s32 $0x40200, s0  }
0x8: {  	s8 =	sadd.s32 $0x40400, s0;
	s9 =	sadd.s32 $0x40600, s0;
	s11 =	smul.u32 $0x14000, s12  }
0x9: {  	s22 =	sshll.u32 s12, $0x1;
	s21 =	smul.u32 $0xA00, s12;
	s14 =	sshll.u32 s12, $0x7  }
0xa: {  	s24 =	sadd.s32 $0x4B000, s3;
	s25 =	sadd.s32 $0x780, s4;
	s13 =	smul.u32 $0x9D00, s5  }
0xb: {  	p0 =	seq.s32 s12, $0xF;
	_ =	strace $0x8000004A;
	s15 =	smul.u32 $0xA00, s5  }
0xc: {  	[dreg:$0x6] =	wrdreg s8;
	s19 =	ssub.s32 $0x2, s5;
	s16 =	smul.u32 $0x4E800, s5  }
0xd: {  	s23 =	sadd.s32 s14, s4;
	[dreg:$0x9] =	wrdreg s24;
	s17 =	smul.u32 $0xA, s5  }
0xe: {  	[dreg:$0xa] =	wrdreg s25;
	s30 =	smul.u32 $0x500, s5;
	s22 =	sor.u32 s5, s22  }
0xf: {  	s24 =	simm.s32 $0x2;
	s25 =	simm.s32 $0x0;
	s2 =	sadd.s32 s18, s0  }
0x10: {  	s10 =	sshrl.u32 s19, $0x1;
	s0 =	sadd.s32 $0x35000, s0;
	s20 =	sshrl.u32 s11, $0x2  }
0x11: {  	[dreg:$0x8] =	wrdreg s23;
	s1 =	sadd.s32 s21, s1;
	s31 =	sadd.s32 s21, s6  }
0x12: {  	s8 =	ssub.s32 s19, s10;
	s10 =	sadd.s32 s20, s3;
	s13 =	sadd.s32 s21, s13  }
0x13: {  	s14 =	sadd.s32 s14, s15;
	s16 =	sshrl.u32 s16, $0x3;
	s28 =	sshrl.u32 s15, $0x3  }
0x14: {  	s29 =	sadd.s32 s17, s2;
	s20 =	sadd.s32 s30, s1;
	s21 =	sadd.s32 s30, s31  }
0x15: {  	[dreg:$0x7] =	wrdreg s10;
	s26 =	sadd.s32 s9, s13;
	s14 =	sshrl.u32 s14, $0x3  }
0x16: {  	s9 =	sadd.s32 s9, s16;
	s17 =	smax.u32 s8, $0x1;
	s18 =	sadd.s32 $0xA7400, s29  }
0x17: {  	s19 =	sadd.s32 $0xA6E00, s29;
	s14 =	sadd.s32 s0, s14;
	s0 =	sadd.s32 s0, s28  }
0x18: {  	[dreg:$0xb] =	wrdreg s26;
	s15 =	sadd.s32 $0x9600, s9;
	s16 =	sadd.s32 $0xF0, s0  }
.LBB2_1:
0x19: {  	s0 =	rddreg [dreg:$0x9]  }
0x1a: {  	s2 =	rddreg [dreg:$0x1]  }
0x1b: {  	s1 =	simm.s32 @p0 $0x2;
	s28 =	sshrl.u32 @p0 s0, $0x3;
	s0 =	simm.s32 @p0 $0x1FC2  }
0x1c: {  	[spmem:s28], [sflag:s0] =	dma.local @p0 [hbm:s2], $0x700  }
0x1d: {  	_ =	swait.ge @p0 [sflag:s1], $0x700  }
0x1e: {  	[sflag:s1] =	ssyncset.done @p0 $0x0;
	s5 =	rddreg [dreg:$0xa]  }
0x1f: {  	[sflag:s1] =	ssyncadd.s32 @p0 $0xFFFFF900;
	s29 =	sshrl.u32 @p0 s5, $0x3  }
0x20: {  	[spmem:s29], [sflag:s0] =	dma.local @p0 [hbm:s7], $0x50  }
0x21: {  	s0 =	stileid.u32  }
0x22: {  	_ =	swait.ge @p0 [sflag:s1], $0x50;
	s0 =	sshll.u32 @!p0 s0, $0x6  }
0x23: {  	[sflag:s1] =	ssyncset.done @p0 $0x0;
	s26 =	sor.u32 @!p0 $0x1C02, s0;
	s0 =	rddreg [dreg:$0x7]  }
0x24: {  	[sflag:s1] =	ssyncadd.s32 @p0 $0xFFFFFFB0;
	s30 =	sshrl.u32 @!p0 s0, $0x3;
	s0 =	simm.s32 @!p0 $0x2  }
0x25: {  	[spmem:s30], [sflag:s26] =	dma.local @!p0 [hbm:s2], $0xA00  }
0x26: {  	_ =	swait.ge @!p0 [sflag:s0], $0xA00  }
0x27: {  	[sflag:s0] =	ssyncset.done @!p0 $0x0;
	s1 =	rddreg [dreg:$0x8]  }
0x28: {  	[sflag:s0] =	ssyncadd.s32 @!p0 $0xFFFFF600;
	s31 =	sshrl.u32 @!p0 s1, $0x3  }
0x29: {  	[spmem:s31], [sflag:s26] =	dma.local @!p0 [hbm:s7], $0x10  }
0x2a: {  	_ =	swait.ge @!p0 [sflag:s0], $0x10  }
0x2b: {  	s12 =	simm.s32 $0x0;
	[sflag:s0] =	ssyncset.done @!p0 $0x0  }
0x2c: {  	s23 =	simm.s32 $0x5100;
	s13 =	rddreg [dreg:$0x6];
	[sflag:s0] =	ssyncadd.s32 @!p0 $0xFFFFFFF0  }
0x2d: {  	[tilespmem:s23], [sflag:$0x2] =	stream.linear.gather [hbm4b:s13+s12], $0x50, $0x38;
	[tilespmem:$0xA0A0] =	vst v63  }
0x2e: {  	_ =	swait.ge [sflag:s24], $0x50  }
0x2f: {  	p1 =	sgt.u32 s22, $0x7C;
	[sflag:s24] =	ssyncset.done $0x0  }
0x30: {  	s5 =	simm.s32 @!p1 $0x3;
	[sflag:s24] =	ssyncadd.s32 $0xFFFFFFB0  }
0x31: {  	s1 =	simm.s32 @!p1 $0x0;
	s0 =	sadd.s32 @!p1 $0x0, s18;
	[bflag:$0x0] =	sbarrier.arrive $0xFFFF  }
0x32: {  	[tilespmem:s1], [sflag:$0x3] =	stream.linear.gather @!p1 [hbm4b:s0+s1], $0x50, $0x38;
	[tilespmem:$0xA0A0] =	vst v63  }
0x33: {  	_ =	swait.ge @!p1 [sflag:s5], $0x50;
	p1 =	por p1, p1  }
0x34: {  	[sflag:s5] =	ssyncset.done @!p1 $0x0  }
0x35: {  	s0 =	sadd.s32 @!p1 $0x0, s19;
	s2 =	simm.s32 @!p1 $0x80;
	[sflag:s5] =	ssyncadd.s32 @!p1 $0xFFFFFFB0  }
0x36: {  	[tilespmem:s2], [sflag:$0x3] =	stream.linear.gather @!p1 [hbm4b:s0+s1], $0x50, $0x38;
	[tilespmem:$0xA0A0] =	vst v63  }
0x37: {  	_ =	swait.ge @!p1 [sflag:s5], $0x50  }
0x38: {  	s8 =	simm.s32 @!p1 $0x50;
	[sflag:s5] =	ssyncset.done @!p1 $0x0  }
0x39: {  	s9 =	simm.s32 @!p1 $0x100;
	s0 =	simm.s32 @!p1 $0x1;
	[sflag:s5] =	ssyncadd.s32 @!p1 $0xFFFFFFB0  }
0x3a: {  	[tilespmem:s9], [sflag:$0x1] =	stream.indirect.gather @!p1 [hbm4b:s6+s8], $0x80, s2, s8, $0xb8;
	[tilespmem:$0xA0A0] =	vst v63  }
0x3b: {  	_ =	swait.ge @!p1 [sflag:s0], $0x2800  }
0x3c: {  	[sflag:s0] =	ssyncset.done @!p1 $0x0  }
0x3d: {  	[sflag:s0] =	ssyncadd.s32 @!p1 $0xFFFFD800  }
0x3e: {  	[hbm4b:s20+s1] =	stream.linear.scatter @!p1 [tilespmem:s9], [sflag:$0x3], $0x2800, $0x38;
	[tilespmem:$0xA0A0] =	vst v63  }
0x3f: {  	_ =	swait.ge @!p1 [sflag:s5], $0x2800  }
0x40: {  	[sflag:s5] =	ssyncset.done @!p1 $0x0  }
0x41: {  	s0 =	simm.s32 @!p1 $0x2900;
	[sflag:s5] =	ssyncadd.s32 @!p1 $0xFFFFD800  }
0x42: {  	[tilespmem:s0], [sflag:$0x3] =	stream.linear.gather @!p1 [hbm4b:s21+s1], $0x2800, $0x38;
	[tilespmem:$0xA0A0] =	vst v63  }
0x43: {  	_ =	swait.ge @!p1 [sflag:s5], $0x2800  }
0x44: {  	[sflag:s5] =	ssyncset.done @!p1 $0x0  }
0x45: {  	[sflag:s5] =	ssyncadd.s32 @!p1 $0xFFFFD800  }
0x46: {  	[spmem:s3] =	stream.indirect.scatter.add.f32 @!p1 [tilespmem:s0], [sflag:$0x3], $0x80, s1, s8, $0xb8;
	[tilespmem:$0xA0A0] =	vst v63  }
0x47: {  	_ =	swait.ge @!p1 [sflag:s5], $0x2800  }
0x48: {  	s23 =	simm.s32 $0x280;
	[sflag:s5] =	ssyncset.done @!p1 $0x0  }
0x49: {  	s2 =	simm.s32 $0x140;
	s0 =	simm.s32 @!p1 $0x5100;
	[sflag:s5] =	ssyncadd.s32 @!p1 $0xFFFFD800  }
0x4a: {  	[spmem:s4] =	stream.indirect.scatter.add.f32 @!p1 [tilespmem:s0], [sflag:$0x2], $0x1, s1, s8, $0xb8;
	[tilespmem:$0xA0A0] =	vst v63  }
0x4b: {  	s9 =	simm.s32 @!p1 $0x2;
	s5 =	sadd.s32 $0xA000, s20;
	s1 =	sadd.s32 $0x20, s22  }
0x4c: {  	s0 =	sadd.s32 $0xA000, s21;
	p3 =	sgt.u32 s1, $0x7C;
	_ =	swait.ge @!p1 [sflag:s9], $0x50  }
.LBB2_2:
0x4d: {  	s10 =	sadd.s32 @!p3 s2, s18  }
0x4e: {  	s8 =	simm.s32 @!p3 $0x0;
	[sflag:s9] =	ssyncset.done @!p1 $0x0;
	s11 =	smov.u32 s23  }
0x4f: {  	s23 =	sadd.s32 $0x140, s23;
	s12 =	simm.s32 @!p3 $0x3;
	[sflag:s9] =	ssyncadd.s32 @!p1 $0xFFFFFFB0  }
0x50: {  	[tilespmem:s8], [sflag:$0x3] =	stream.linear.gather @!p3 [hbm4b:s10+s8], $0x50, $0x38;
	[tilespmem:$0xA0A0] =	vst v63  }
0x51: {  	p2 =	sne.s32 s23, $0x500;
	p1 =	por p3, p3;
	_ =	swait.ge @!p3 [sflag:s12], $0x50  }
0x52: {  	[sflag:s12] =	ssyncset.done @!p1 $0x0  }
0x53: {  	s2 =	sadd.s32 @!p1 s2, s19;
	s9 =	simm.s32 @!p1 $0x80;
	[sflag:s12] =	ssyncadd.s32 @!p1 $0xFFFFFFB0  }
0x54: {  	[tilespmem:s9], [sflag:$0x3] =	stream.linear.gather @!p1 [hbm4b:s2+s8], $0x50, $0x38;
	[tilespmem:$0xA0A0] =	vst v63  }
0x55: {  	s2 =	smov.u32 s11;
	_ =	swait.ge @!p1 [sflag:s12], $0x50  }
0x56: {  	s10 =	simm.s32 @!p1 $0x1;
	[sflag:s12] =	ssyncset.done @!p1 $0x0  }
0x57: {  	s13 =	simm.s32 @!p1 $0x100;
	s11 =	simm.s32 @!p1 $0x50;
	[sflag:s12] =	ssyncadd.s32 @!p1 $0xFFFFFFB0  }
0x58: {  	[tilespmem:s13], [sflag:$0x1] =	stream.indirect.gather @!p1 [hbm4b:s6+s11], $0x80, s9, s11, $0xb8;
	[tilespmem:$0xA0A0] =	vst v63  }
0x59: {  	_ =	swait.ge @!p1 [sflag:s10], $0x2800  }
0x5a: {  	[sflag:s10] =	ssyncset.done @!p1 $0x0  }
0x5b: {  	[sflag:s10] =	ssyncadd.s32 @!p1 $0xFFFFD800  }
0x5c: {  	[hbm4b:s5+s8] =	stream.linear.scatter @!p1 [tilespmem:s13], [sflag:$0x3], $0x2800, $0x38;
	[tilespmem:$0xA0A0] =	vst v63  }
0x5d: {  	_ =	swait.ge @!p1 [sflag:s12], $0x2800  }
0x5e: {  	[sflag:s12] =	ssyncset.done @!p1 $0x0  }
0x5f: {  	s9 =	simm.s32 @!p1 $0x2900;
	[sflag:s12] =	ssyncadd.s32 @!p1 $0xFFFFD800  }
0x60: {  	[tilespmem:s9], [sflag:$0x3] =	stream.linear.gather @!p1 [hbm4b:s0+s8], $0x2800, $0x38;
	[tilespmem:$0xA0A0] =	vst v63  }
0x61: {  	_ =	swait.ge @!p1 [sflag:s12], $0x2800  }
0x62: {  	[sflag:s12] =	ssyncset.done @!p1 $0x0  }
0x63: {  	[sflag:s12] =	ssyncadd.s32 @!p1 $0xFFFFD800  }
0x64: {  	[spmem:s3] =	stream.indirect.scatter.add.f32 @!p1 [tilespmem:s9], [sflag:$0x3], $0x80, s8, s11, $0xb8;
	[tilespmem:$0xA0A0] =	vst v63  }
.Ltmp0:
0x65: {  	_ =	swait.ge @!p1 [sflag:s12], $0x2800;
	(pc) =	sbr.rel @p2 .LBB2_2-.Ltmp0, $4  }
0x66: {  	s1 =	sadd.s32 $0x20, s1;
	s0 =	sadd.s32 $0xA000, s0;
	[sflag:s12] =	ssyncset.done @!p1 $0x0  }
0x67: {  	s10 =	simm.s32 @!p1 $0x5100;
	s9 =	simm.s32 @!p1 $0x2;
	[sflag:s12] =	ssyncadd.s32 @!p1 $0xFFFFD800  }
0x68: {  	[spmem:s4] =	stream.indirect.scatter.add.f32 @!p1 [tilespmem:s10], [sflag:$0x2], $0x1, s8, s11, $0xb8;
	[tilespmem:$0xA0A0] =	vst v63  }
0x69: {  	p3 =	sgt.u32 s1, $0x7C;
	s5 =	sadd.s32 $0xA000, s5;
	_ =	swait.ge @!p1 [sflag:s9], $0x50  }
0x6a: {  	s1 =	sadd.s32 @!p3 s2, s18;
	[sflag:s9] =	ssyncset.done @!p1 $0x0  }
0x6b: {  	s8 =	simm.s32 @!p3 $0x0;
	s10 =	simm.s32 @!p3 $0x3;
	[sflag:s9] =	ssyncadd.s32 @!p1 $0xFFFFFFB0  }
0x6c: {  	[tilespmem:s8], [sflag:$0x3] =	stream.linear.gather @!p3 [hbm4b:s1+s8], $0x50, $0x38;
	[tilespmem:$0xA0A0] =	vst v63  }
0x6d: {  	p1 =	por p3, p3;
	_ =	swait.ge @!p3 [sflag:s10], $0x50  }
0x6e: {  	[sflag:s10] =	ssyncset.done @!p1 $0x0  }
0x6f: {  	s1 =	sadd.s32 @!p1 s2, s19;
	s2 =	simm.s32 @!p1 $0x80;
	[sflag:s10] =	ssyncadd.s32 @!p1 $0xFFFFFFB0  }
0x70: {  	[tilespmem:s2], [sflag:$0x3] =	stream.linear.gather @!p1 [hbm4b:s1+s8], $0x50, $0x38;
	[tilespmem:$0xA0A0] =	vst v63  }
0x71: {  	_ =	swait.ge @!p1 [sflag:s10], $0x50  }
0x72: {  	s9 =	simm.s32 @!p1 $0x50;
	[sflag:s10] =	ssyncset.done @!p1 $0x0  }
0x73: {  	s11 =	simm.s32 @!p1 $0x100;
	s1 =	simm.s32 @!p1 $0x1;
	[sflag:s10] =	ssyncadd.s32 @!p1 $0xFFFFFFB0  }
0x74: {  	[tilespmem:s11], [sflag:$0x1] =	stream.indirect.gather @!p1 [hbm4b:s6+s9], $0x80, s2, s9, $0xb8;
	[tilespmem:$0xA0A0] =	vst v63  }
0x75: {  	_ =	swait.ge @!p1 [sflag:s1], $0x2800  }
0x76: {  	[sflag:s1] =	ssyncset.done @!p1 $0x0  }
0x77: {  	[sflag:s1] =	ssyncadd.s32 @!p1 $0xFFFFD800  }
0x78: {  	[hbm4b:s5+s8] =	stream.linear.scatter @!p1 [tilespmem:s11], [sflag:$0x3], $0x2800, $0x38;
	[tilespmem:$0xA0A0] =	vst v63  }
0x79: {  	_ =	swait.ge @!p1 [sflag:s10], $0x2800  }
0x7a: {  	[sflag:s10] =	ssyncset.done @!p1 $0x0  }
0x7b: {  	s1 =	simm.s32 @!p1 $0x2900;
	[sflag:s10] =	ssyncadd.s32 @!p1 $0xFFFFD800  }
0x7c: {  	[tilespmem:s1], [sflag:$0x3] =	stream.linear.gather @!p1 [hbm4b:s0+s8], $0x2800, $0x38;
	[tilespmem:$0xA0A0] =	vst v63  }
0x7d: {  	_ =	swait.ge @!p1 [sflag:s10], $0x2800  }
0x7e: {  	[sflag:s10] =	ssyncset.done @!p1 $0x0  }
0x7f: {  	[sflag:s10] =	ssyncadd.s32 @!p1 $0xFFFFD800  }
0x80: {  	[spmem:s3] =	stream.indirect.scatter.add.f32 @!p1 [tilespmem:s1], [sflag:$0x3], $0x80, s8, s9, $0xb8;
	[tilespmem:$0xA0A0] =	vst v63  }
0x81: {  	_ =	swait.ge @!p1 [sflag:s10], $0x2800  }
0x82: {  	[sflag:s10] =	ssyncset.done @!p1 $0x0  }
0x83: {  	s0 =	simm.s32 @!p1 $0x5100;
	s1 =	simm.s32 @!p1 $0x2;
	[sflag:s10] =	ssyncadd.s32 @!p1 $0xFFFFD800  }
0x84: {  	[spmem:s4] =	stream.indirect.scatter.add.f32 @!p1 [tilespmem:s0], [sflag:$0x2], $0x1, s8, s9, $0xb8;
	[tilespmem:$0xA0A0] =	vst v63  }
0x85: {  	_ =	swait.ge @!p1 [sflag:s1], $0x50  }
0x86: {  	[sflag:s1] =	ssyncset.done @!p1 $0x0  }
0x87: {  	[sflag:s1] =	ssyncadd.s32 @!p1 $0xFFFFFFB0  }
0x88: {  	s0 =	simm.s32 @p0 $0x1FC2;
	s1 =	simm.s32 @p0 $0x2;
	[bflag:$0x0] =	sbarrier.arrive $0xFFFF  }
0x89: {  	[hbm:s15], [sflag:s0] =	dma.local @p0 [spmem:s28], $0x700  }
0x8a: {  	_ =	swait.ge @p0 [sflag:s1], $0x700  }
0x8b: {  	[sflag:s1] =	ssyncset.done @p0 $0x0  }
0x8c: {  	[sflag:s1] =	ssyncadd.s32 @p0 $0xFFFFF900  }
0x8d: {  	[hbm:s16], [sflag:s0] =	dma.local @p0 [spmem:s29], $0x50  }
0x8e: {  	_ =	swait.ge @p0 [sflag:s1], $0x50  }
0x8f: {  	[sflag:s1] =	ssyncset.done @p0 $0x0  }
0x90: {  	s0 =	rddreg [dreg:$0xb];
	[sflag:s1] =	ssyncadd.s32 @p0 $0xFFFFFFB0  }
0x91: {  	[hbm:s0], [sflag:s26] =	dma.local @!p0 [spmem:s30], $0xA00  }
0x92: {  	s0 =	simm.s32 @!p0 $0x2  }
0x93: {  	s25 =	sadd.s32 $0x1, s25;
	_ =	swait.ge @!p0 [sflag:s0], $0xA00  }
0x94: {  	p1 =	sne.s32 s25, s17;
	[sflag:s0] =	ssyncset.done @!p0 $0x0  }
.Ltmp1:
0x95: {  	[sflag:s0] =	ssyncadd.s32 @!p0 $0xFFFFF600;
	(pc) =	sbr.rel @p1 .LBB2_1-.Ltmp1, $4  }
0x96: {  	[hbm:s14], [sflag:s26] =	dma.local @!p0 [spmem:s31], $0x10  }
0x97: {  	_ =	swait.ge @!p0 [sflag:s0], $0x10  }
0x98: {  	[sflag:s0] =	ssyncset.done @!p0 $0x0  }
0x99: {  	[sflag:s0] =	ssyncadd.s32 @!p0 $0xFFFFFFF0  }
0x9a: {  	_ =	sfence.sel $0x180000  }
0x9b: {  	[bflag:$0x0] =	sbarrier.arrive $0xFFFF  }
0x9c: {  	_ =	strace $0x9000004A  }
0x9d: {  	s0 =	stileid.u32;
	[bflag:$0x2] =	sbarrier.arrive $0xFFFF  }
0x9e: {  	p0 =	sne.s32 s0, $0x0;
	s0 =	rddreg [dreg:$0x5]  }
0x9f: {  	s0 =	sadd.s32 @!p0 $0x100000, s0  }
0xa0: {  	[sflag:s0] =	ssyncadd.tile.s32 @!p0 $0x1;
	_ =	shalt  }
.Lfunc_end2:
_tile_overlayer_lowered:
.L_overlay_start_2:
0xa1: {  	(tag) =	ssettag $0x2  }
0xa2: {  	s0 =	rddreg [dreg:$0x0];
	s2 =	stileid.u32  }
0xa3: {  	s1 =	rddreg [dreg:$0x1];
	p0 =	sne.s32 s2, $0x0  }
0xa4: {  	s3 =	rddreg [dreg:$0x2];
	[bflag:$0x3] =	sbarrier.arrive $0xFFFF;
	s2 =	simm.s32 @!p0 $0x1C02  }
0xa5: {  	[timem:s3], [sflag:s2] =	dma.local @!p0 [hbm:s0], s1  }
0xa6: {  	s0 =	simm.s32 @!p0 $0x2  }
0xa7: {  	_ =	swait.ge @!p0 [sflag:s0], s1  }
0xa8: {  	s1 =	ssub.s32 @!p0 $0x0, s1;
	[sflag:s0] =	ssyncset.done @!p0 $0x0  }
0xa9: {  	[sflag:s0] =	ssyncadd.s32 @!p0 s1  }
0xaa: {  	[bflag:$0x3] =	sbarrier.arrive $0xFFFF  }
0xab: {  	_ =	shalt  }

// kernel: kernel.7.cloned.1.call-start
scs
__scs_entry_jumppad:
0x0: {  	(pc) =	sbr.rel $0x88, $3  }
0x1: {  	(tag) =	ssettag $0x0;
	lr =	simm.s32 $0x1  }
0x2: {  	[smem:$0x3F96] =	sst lr;
	_ =	strace $0xD0000000  }
0x3: {  	_ = 	snop  }
0x4: {  	_ = 	snop  }
0x5: {  	_ = 	snop  }
0x6: {  	_ = 	snop  }
0x7: {  	_ = 	snop  }
__scs_overlays_trampoline_lowered:
0x8: {  	[smem:$0x3FA5] =	sst s0  }
0x9: {  	[smem:$0x3FA6] =	sst s1  }
0xa: {  	[smem:$0x3FA7] =	sst s2  }
0xb: {  	[smem:$0x3FA8] =	sst s3  }
0xc: {  	[smem:$0x3FA9] =	sst s4  }
0xd: {  	[smem:$0x3FAA] =	sst s5  }
0xe: {  	[smem:$0x3FAB] =	sst s6  }
0xf: {  	[smem:$0x3FAC] =	sst s7  }
0x10: {  	[smem:$0x3FAD] =	sst s8  }
0x11: {  	[smem:$0x3FAE] =	sst s9;
	s0 =	simm.s32 @!p0 $0x0  }
0x12: {  	s1 =	sld [smem:$0x3F94];
	s0 =	simm.s32 @p0 $0x1  }
0x13: {  	[smem:$0x3FAF] =	sst s0;
	s0 =	simm.s32 @!p1 $0x0  }
0x14: {  	s2 =	sld [smem:$0x3F93];
	s0 =	simm.s32 @p1 $0x1  }
0x15: {  	[smem:$0x3FB0] =	sst s0;
	s0 =	simm.s32 @!p2 $0x0  }
0x16: {  	s3 =	sld [smem:$0x3FDB];
	s0 =	simm.s32 @p2 $0x1  }
0x17: {  	s4 =	simm.s32 $0x1BF5;
	[smem:$0x3FB2] =	sst s0  }
0x18: {  	s0 =	sld [smem:$0x3F95];
	_ =	swait.ge [sflag:s4], $0x0  }
0x19: {  	s7 =	sld [smem:$0x3F96]  }
0x1a: {  	s8 =	sadd.s32 $0xFFFFE003, lr  }
0x1b: {  	s9 =	sadd.s32 $0xFFFFFEF7, lr;
	s5 =	simm.s32 $0xFFFFFFFF;
	p2 =	slt.u32 s8, $0xFFFFF086  }
0x1c: {  	p1 =	slt.u32 s9, $0xF7A;
	s5 =	simm.s32 @!p2 $0x0  }
0x1d: {  	s5 =	simm.s32 @p1 $0x1;
	p0 =	seq.s32 s7, s2  }
0x1e: {  	s7 =	smul.u32 @!p0 $0xF7A, s2;
	p2 =	seq.s32 @!p0 s5, $0x0  }
0x1f: {  	s9 =	smul.u32 $0xF7A, s1;
	s8 =	simm.s32 @!p0 $0x1BF5;
	p2 =	por !p2, p0  }
0x20: {  	[sflag:s8] =	ssyncset.s32 @!p0 $0xFFFFF086;
	s6 =	sadd.s32 @!p0 s3, s7;
	s7 =	simm.s32 @!p0 $0x108  }
0x21: {  	s3 =	sadd.s32 s3, s9;
	s6 =	sadd.s32 @!p0 $0x88, s6;
	s7 =	simm.s32 @p2 $0x1082  }
0x22: {  	[simem:s7], [sflag:s8] =	dma.local @!p0 [hbm:s6], $0xF7A  }
0x23: {  	s9 =	sor.u32 $0xD0000000, s2;
	s6 =	simm.s32 $0x108;
	_ =	swait.ge @!p0 [sflag:s8], $0x0  }
0x24: {  	s3 =	sadd.s32 $0x88, s3;
	s6 =	simm.s32 @!p1 $0x1082;
	[sflag:s4] =	ssyncset.s32 $0xFFFFF086  }
0x25: {  	[simem:s6], [sflag:s4] =	dma.local [hbm:s3], $0xF7A  }
0x26: {  	[smem:$0x3F96] =	sst s1;
	(tag) =	ssettag s2;
	_ =	strace s9  }
0x27: {  	s1 =	sld [smem:$0x3FA6]  }
0x28: {  	s2 =	sld [smem:$0x3FA7]  }
0x29: {  	s4 =	sld [smem:$0x3FA9]  }
0x2a: {  	p0 =	seq.s32 s5, $0x0;
	s5 =	sld [smem:$0x3FAA]  }
0x2b: {  	s6 =	sld [smem:$0x3FAB]  }
0x2c: {  	s7 =	sld [smem:$0x3FAC]  }
0x2d: {  	s3 =	simm.s32 $0x108;
	s8 =	sld [smem:$0x3FAD]  }
0x2e: {  	s3 =	simm.s32 @!p0 $0x1082;
	s9 =	sld [smem:$0x3FAE]  }
0x2f: {  	lr =	sadd.s32 s0, s3;
	s0 =	sld [smem:$0x3FA5]  }
0x30: {  	s3 =	sld [smem:$0x3FA8]  }
0x31: {  	[smem:$0x3FB1] =	sst s10  }
0x32: {  	s10 =	sld [smem:$0x3FAF];
	_ =	sdelay $0x3  }
0x33: {  	p0 =	seq.s32 s10, $0x1;
	s10 =	sld [smem:$0x3FB1];
	_ =	sdelay $0x3  }
0x34: {  	[smem:$0x3FB1] =	sst s10  }
0x35: {  	s10 =	sld [smem:$0x3FB0];
	_ =	sdelay $0x3  }
0x36: {  	p1 =	seq.s32 s10, $0x1;
	s10 =	sld [smem:$0x3FB1];
	_ =	sdelay $0x3  }
0x37: {  	[smem:$0x3FB1] =	sst s10  }
0x38: {  	s10 =	sld [smem:$0x3FB2]  }
0x39: {  	_ = 	snop;
	(pc) =	sbr.ind lr, $3  }
0x3a: {  	_ = 	snop  }
0x3b: {  	_ = 	snop  }
0x3c: {  	p2 =	seq.s32 s10, $0x1;
	s10 =	sld [smem:$0x3FB1]  }
0x3d: {  	_ =	shalt  }
0x3e: {  	_ =	shalt  }
0x3f: {  	_ =	shalt  }
0x40: {  	_ =	shalt  }
0x41: {  	_ =	shalt  }
0x42: {  	_ =	shalt  }
0x43: {  	_ =	shalt  }
0x44: {  	_ =	shalt  }
0x45: {  	_ =	shalt  }
0x46: {  	_ =	shalt  }
0x47: {  	_ =	shalt  }
0x48: {  	_ =	shalt  }
0x49: {  	_ =	shalt  }
0x4a: {  	_ =	shalt  }
0x4b: {  	_ =	shalt  }
0x4c: {  	_ =	shalt  }
0x4d: {  	_ =	shalt  }
0x4e: {  	_ =	shalt  }
0x4f: {  	_ =	shalt  }
0x50: {  	_ =	shalt  }
0x51: {  	_ =	shalt  }
0x52: {  	_ =	shalt  }
0x53: {  	_ =	shalt  }
0x54: {  	_ =	shalt  }
0x55: {  	_ =	shalt  }
0x56: {  	_ =	shalt  }
0x57: {  	_ =	shalt  }
0x58: {  	_ =	shalt  }
0x59: {  	_ =	shalt  }
0x5a: {  	_ =	shalt  }
0x5b: {  	_ =	shalt  }
0x5c: {  	_ =	shalt  }
0x5d: {  	_ =	shalt  }
0x5e: {  	_ =	shalt  }
0x5f: {  	_ =	shalt  }
0x60: {  	_ =	shalt  }
0x61: {  	_ =	shalt  }
0x62: {  	_ =	shalt  }
0x63: {  	_ =	shalt  }
0x64: {  	_ =	shalt  }
0x65: {  	_ =	shalt  }
0x66: {  	_ =	shalt  }
0x67: {  	_ =	shalt  }
0x68: {  	_ =	shalt  }
0x69: {  	_ =	shalt  }
0x6a: {  	_ =	shalt  }
0x6b: {  	_ =	shalt  }
0x6c: {  	_ =	shalt  }
0x6d: {  	_ =	shalt  }
0x6e: {  	_ =	shalt  }
0x6f: {  	_ =	shalt  }
0x70: {  	_ =	shalt  }
0x71: {  	_ =	shalt  }
0x72: {  	_ =	shalt  }
0x73: {  	_ =	shalt  }
0x74: {  	_ =	shalt  }
0x75: {  	_ =	shalt  }
0x76: {  	_ =	shalt  }
0x77: {  	_ =	shalt  }
0x78: {  	_ =	shalt  }
0x79: {  	_ =	shalt  }
0x7a: {  	_ =	shalt  }
0x7b: {  	_ =	shalt  }
0x7c: {  	_ =	shalt  }
0x7d: {  	_ =	shalt  }
0x7e: {  	_ =	shalt  }
0x7f: {  	_ =	shalt  }
0x80: {  	_ =	shalt  }
0x81: {  	_ =	shalt  }
0x82: {  	_ =	shalt  }
0x83: {  	_ =	shalt  }
0x84: {  	_ =	shalt  }
0x85: {  	_ =	shalt  }
0x86: {  	_ =	shalt  }
0x87: {  	_ =	shalt  }
.Lfunc_end0:
.L_simem_size_0:
called_computation_lowered:
.L_overlay_start_0:
0x88: {  	s2 =	sld [smem:$0x3FD9]  }
0x89: {  	s3 =	sld [smem:$0x3FFE];
	_ =	sdelay $0x1  }
0x8a: {  	s1 =	srdreg.scid  }
0x8b: {  	s0 =	sand.u32 $0x1, s1  }
0x8c: {  	s14 =	sshll.u32 s0, $0xA;
	s2 =	sadd.s32 s3, s2  }
0x8d: {  	s2 =	sadd.s32 s2, s14  }
0x8e: {  	[smem:$0x3FBD] =	sst s2  }
0x8f: {  	_ = 	snop  }
0x90: {  	s2 =	sld [smem:$0x3FD0];
	_ =	sdelay $0x2  }
0x91: {  	s15 =	simm.s32 $0xA;
	s4 =	simm.s32 $0x10  }
0x92: {  	[smem:s4], [sflag:s15] =	dma.local [hbm:s2], $0x1  }
0x93: {  	_ =	swait.eq [sflag:s15], $0x1  }
0x94: {  	[sflag:s15] =	ssyncset.done $0x0  }
0x95: {  	s16 =	sld [smem:$0x10];
	[sflag:s15] =	ssyncadd.s32 $0xFFFFFFFF  }
0x96: {  	s17 =	sld [smem:$0x11];
	(tm) =	ssettm $0x1  }
0x97: {  	s18 =	sld [smem:$0x3FFB];
	_ =	sdelay $0x3  }
0x98: {  	_ =	strace s18  }
0x99: {  	s4 =	sld [smem:$0x3FFC];
	_ =	sdelay $0x3  }
0x9a: {  	_ =	strace s4  }
0x9b: {  	s4 =	sld [smem:$0x3FFD];
	_ =	sdelay $0x3  }
0x9c: {  	_ =	strace s4  }
0x9d: {  	_ =	strace $0x8FFFFFFF  }
0x9e: {  	s19 =	sld [smem:$0x3FDB];
	_ =	sdelay $0x1  }
0x9f: {  	s5 =	simm.s32 $_scs_section_size  }
0xa0: {  	s6 =	simm.s32 $_size__tile_overlayer_lowered;
	s7 =	simm.s32 $_tile_overlayer_lowered  }
0xa1: {  	s22 =	simm.s32 $0x1BFF;
	s21 =	sshll.u32 s7, $0x1;
	s4 =	sadd.s32 s5, s19  }
0xa2: {  	s8 =	simm.s32 $0x0;
	s20 =	sshll.u32 s6, $0x1;
	s6 =	sadd.s32 s21, s4  }
0xa3: {  	[timem:s8], [sflag:s22] =	dma.local [hbm:s6], s20  }
0xa4: {  	_ =	swait.ge [sflag:s22], s20  }
0xa5: {  	s5 =	ssub.s32 $0x0, s20;
	[sflag:s22] =	ssyncset.done $0x0  }
0xa6: {  	[sflag:s22] =	ssyncadd.s32 s5;
	_ =	sdelay $0x1  }
0xa7: {  	s23 =	simm.s32 $0x1B8B  }
0xa8: {  	_ =	swait.ge [sflag:s23], $0x1  }
0xa9: {  	[sflag:s23] =	ssyncset.done $0x0  }
0xaa: {  	s25 =	simm.s32 $0x1B8E;
	s24 =	sld [smem:$0x3FFE];
	[sflag:s23] =	ssyncadd.s32 $0xFFFFFFFF  }
0xab: {  	s26 =	simm.s32 $execute0_lowered;
	[smem:$0x3FD2] =	sst s25  }
0xac: {  	s6 =	sshll.u32 s26, $0x1;
	_ =	strace $0x80000046;
	[dreg:$0x1] =	wrdreg $0xFFFFFFFF  }
0xad: {  	s28 =	simm.s32 $_size_execute0_lowered;
	s4 =	sadd.s32 s4, s6;
	[dreg:$0x0] =	wrdreg $0x0  }
0xae: {  	s6 =	sshll.u32 s28, $0x1;
	[dreg:$0x2] =	wrdreg s4  }
0xaf: {  	[dreg:$0x3] =	wrdreg s6  }
0xb0: {  	[dreg:$0x4] =	wrdreg $0xC0  }
0xb1: {  	_ =	task [dreg:s8], $0x5FFFF  }
0xb2: {  	[dreg:$0x1] =	wrdreg $0xFFFFFFFF  }
0xb3: {  	[dreg:$0x0] =	wrdreg $0x60  }
0xb4: {  	[dreg:$0x2] =	wrdreg s24  }
0xb5: {  	[dreg:$0x3] =	wrdreg s16  }
0xb6: {  	[dreg:$0x4] =	wrdreg s17  }
0xb7: {  	[dreg:$0x5] =	wrdreg $0x63800  }
0xb8: {  	[dreg:$0x6] =	wrdreg $0x1EA800  }
0xb9: {  	[dreg:$0x7] =	wrdreg $0x9  }
0xba: {  	_ =	task.clear_ibuf [dreg:s8], $0x8FFFF;
	_ =	strace $0x90000046  }
0xbb: {  	s29 =	simm.s32 $0x9;
	_ =	strace $0x80000048  }
0xbc: {  	_ =	swait.ge [sflag:s29], $0x1  }
0xbd: {  	[sflag:s29] =	ssyncadd.s32 $0xFFFFFFFF  }
0xbe: {  	_ =	strace $0x90000048  }
0xbf: {  	_ =	sfence  }
0xc0: {  	s30 =	sld [smem:$0x0];
	_ =	sdelay $0x2  }
0xc1: {  	s31 =	sshll.u32 s1, $0xD;
	s1 =	sshrl.u32 s1, $0x2  }
0xc2: {  	s3 =	sand.u32 $0x4000, s31;
	s1 =	sadd.s32 s1, s30  }
0xc3: {  	s0 =	sor.u32 s3, s0;
	s1 =	sshll.u32 s1, $0x11  }
0xc4: {  	s0 =	sor.u32 s1, s0  }
0xc5: {  	s0 =	sadd.s32 $0x8F2B, s0  }
0xc6: {  	[sflag:s0] =	ssyncadd.remote.s32 $0x1  }
0xc7: {  	_ =	sfence.sel $0xFFFF  }
0xc8: {  	[dreg:$0x0] =	wrdreg $0xFFFFFFFF;
	(pc) =	sbr.abs _section_cstart, $3  }
0xc9: {  	[dreg:$0x1] =	wrdreg $0xFFFFFFFF  }
0xca: {  	_ =	task.clear_ibuf [dreg:s8], $0x2FFFF;
	_ =	strace $0x9FFFFFFF  }
0xcb: {  	(tm) =	ssettm $0x7FFFFFFF  }
tec
execute0_lowered:
.L_overlay_start_1:
0x0: {  	(tag) =	ssettag $0x1  }
0x1: {  	s0 =	rddreg [dreg:$0x0]  }
0x2: {  	s1 =	rddreg [dreg:$0x1];
	s2 =	srdreg.scid  }
0x3: {  	s20 =	stileid.u32;
	s3 =	rddreg [dreg:$0x3]  }
0x4: {  	s5 =	simm.s32 $0x0;
	s28 =	simm.s32 $0x2300;
	s7 =	smul.u32 $0x62000, s20  }
0x5: {  	s29 =	simm.s32 $0x2;
	s30 =	simm.s32 $0x4;
	s13 =	smul.u32 $0x2780, s20  }
0x6: {  	s31 =	simm.s32 $0x9;
	s2 =	sand.u32 $0x1, s2;
	s21 =	smul.u32 $0xA0, s20  }
0x7: {  	s4 =	sshll.u32 s20, $0x1;
	[smem:$0x7FF] =	sst s5;
	s26 =	smul.u32 $0x162, s20  }
0x8: {  	s9 =	sadd.s32 $0x2200, s0;
	s11 =	sadd.s32 $0x41400, s0;
	s10 =	smul.u32 $0x32C80, s2  }
0x9: {  	s14 =	sadd.s32 $0x40600, s0;
	p0 =	seq.s32 s20, $0xF;
	s16 =	smul.u32 $0x32C8, s2  }
0xa: {  	s6 =	sor.u32 s2, s4;
	s12 =	ssub.s32 $0x2, s2;
	s23 =	smul.u32 $0x3100, s2  }
0xb: {  	s4 =	rddreg [dreg:$0x4];
	s8 =	smul.u32 $0x588, s6;
	s15 =	sshrl.u32 s12, $0x1  }
0xc: {  	s6 =	smul.u32 $0x2C40, s6;
	s7 =	sshrl.u32 s7, $0x2;
	s17 =	ssub.s32 s12, s15  }
0xd: {  	s25 =	sadd.s32 s13, s10;
	s13 =	sadd.s32 s21, s16;
	s16 =	smul.u32 $0xB1, s2  }
0xe: {  	s2 =	smul.u32 $0x196400, s2;
	s21 =	sshrl.u32 s23, $0x3;
	s22 =	sadd.s32 s1, s8  }
0xf: {  	s6 =	sshrl.u32 s6, $0x3;
	s8 =	sadd.s32 s9, s8;
	[dreg:$0x6] =	wrdreg s22  }
0x10: {  	s12 =	smul.u32 $0x4F000, s20;
	s6 =	sadd.s32 $0x8, s6;
	[dreg:$0x7] =	wrdreg s8  }
0x11: {  	s8 =	smul.u32 $0x300, s20;
	s10 =	sadd.s32 s16, s26;
	s2 =	sshrl.u32 s2, $0x3  }
0x12: {  	s16 =	sadd.s32 $0xD400, s0;
	s26 =	sadd.s32 $0x40200, s0;
	s24 =	sadd.s32 s1, s6  }
0x13: {  	s0 =	sadd.s32 $0x40400, s0;
	s6 =	sadd.s32 s9, s6;
	[dreg:$0x8] =	wrdreg s24  }
0x14: {  	s10 =	sshll.u32 s10, $0x3;
	s2 =	sadd.s32 s11, s2;
	[dreg:$0x9] =	wrdreg s6  }
0x15: {  	s6 =	sadd.s32 s11, s25;
	s18 =	sadd.s32 s8, s23;
	s24 =	smul.u32 $0xC00, s20  }
0x16: {  	s22 =	sadd.s32 $0x20, s10;
	s25 =	smul.u32 $0x14000, s20;
	s20 =	simm.s32 $0x300  }
0x17: {  	[dreg:$0xa] =	wrdreg s6;
	s6 =	sshll.u32 s13, $0x4;
	s13 =	sshrl.u32 s18, $0x3  }
0x18: {  	s23 =	sadd.s32 s22, s1;
	s18 =	sadd.s32 s10, s1;
	s6 =	sadd.s32 s11, s6  }
0x19: {  	s19 =	sadd.s32 s14, s13;
	s11 =	sadd.s32 s14, s21;
	[dreg:$0xc] =	wrdreg s23  }
0x1a: {  	s13 =	sadd.s32 s22, s9;
	s21 =	sshrl.u32 s25, $0x2;
	s22 =	sshrl.u32 s12, $0x2  }
0x1b: {  	s23 =	sadd.s32 $0x25080, s2;
	s2 =	sadd.s32 $0x30700, s2;
	s25 =	smax.u32 s17, $0x1  }
0x1c: {  	s12 =	simm.s32 $0x0;
	[dreg:$0xb] =	wrdreg s19;
	s19 =	sadd.s32 s10, s9  }
0x1d: {  	s10 =	sadd.s32 $0x10, s10;
	_ =	strace $0x80000047;
	[dreg:$0xd] =	wrdreg s26  }
0x1e: {  	s6 =	sadd.s32 $0x27100, s6;
	s14 =	sadd.s32 s10, s1;
	[dreg:$0xe] =	wrdreg s0  }
0x1f: {  	s15 =	sadd.s32 s10, s9;
	s0 =	sadd.s32 s7, s3;
	[dreg:$0xf] =	wrdreg s6  }
0x20: {  	s1 =	sshrl.u32 s24, $0x2;
	s7 =	sadd.s32 s21, s3;
	[dreg:$0x10] =	wrdreg s23  }
0x21: {  	s9 =	sadd.s32 s22, s3;
	s6 =	sadd.s32 s8, s4;
	[dreg:$0x11] =	wrdreg s2  }
0x22: {  	s24 =	sadd.s32 $0x5A0, s11;
	[dreg:$0x13] =	wrdreg s25;
	s2 =	sadd.s32 $0x16F800, s3  }
0x23: {  	s25 =	sadd.s32 $0x18, s19;
	s26 =	sadd.s32 $0x2D00, s4;
	s10 =	simm.s32 $0x80  }
0x24: {  	s11 =	simm.s32 $0x200;
	s19 =	simm.s32 $0x40;
	s21 =	simm.s32 $0x1  }
0x25: {  	s22 =	simm.s32 $0x100;
	s23 =	simm.s32 $0x280;
	s1 =	sadd.s32 s1, s4  }
0x26: {  	s7 =	sadd.s32 $0x138800, s7;
	[dreg:$0x12] =	wrdreg s24;
	s24 =	sadd.s32 $0x18, s18  }
0x27: {  	s2 =	sshrl.u32 @p0 s2, $0x3;
	s0 =	sshrl.u32 @!p0 s0, $0x3;
	[dreg:$0x1c] =	wrdreg s26  }
0x28: {  	s18 =	simm.s32 $0x7;
	[dreg:$0x15] =	wrdreg s0;
	s0 =	sshrl.u32 @!p0 s1, $0x3  }
0x29: {  	s26 =	simm.s32 $0x8;
	[dreg:$0x16] =	wrdreg s0;
	s0 =	sadd.s32 $0x128400, s3  }
0x2a: {  	[dreg:$0x14] =	wrdreg s2;
	s1 =	sadd.s32 $0x183800, s3;
	s0 =	sshrl.u32 @p0 s0, $0x3  }
.Ltmp0:
0x2b: {  	[dreg:$0x17] =	wrdreg s0;
	s0 =	sshrl.u32 @p0 s1, $0x3;
	(pc) =	sbr.rel .LBB2_1-.Ltmp0, $4  }
0x2c: {  	s2 =	simm.s32 $0x4300;
	[dreg:$0x18] =	wrdreg s0;
	s0 =	sshrl.u32 @!p0 s9, $0x3  }
0x2d: {  	s1 =	simm.s32 $0x5;
	[dreg:$0x19] =	wrdreg s0;
	s0 =	sshrl.u32 @!p0 s7, $0x3  }
0x2e: {  	s9 =	simm.s32 $0x180;
	[dreg:$0x1a] =	wrdreg s0;
	s0 =	sshrl.u32 @!p0 s6, $0x3  }
0x2f: {  	s7 =	simm.s32 $0x6300;
	[dreg:$0x1b] =	wrdreg s0;
	s0 =	simm.s32 $0x3  }
.LBB2_4:
0x30: {  	s6 =	simm.s32 $0x6  }
0x31: {  	_ =	swait.ge [sflag:s6], $0x2000  }
0x32: {  	[sflag:s6] =	ssyncset.done $0x0  }
0x33: {  	[sflag:s6] =	ssyncadd.s32 $0xFFFFE000  }
0x34: {  	_ =	swait.ge [sflag:s6], $0x40  }
0x35: {  	[sflag:s6] =	ssyncset.done $0x0  }
0x36: {  	[sflag:s6] =	ssyncadd.s32 $0xFFFFFFC0  }
0x37: {  	[bflag:$0x0] =	sbarrier.arrive $0xFFFF  }
0x38: {  	s8 =	rddreg [dreg:$0x10]  }
0x39: {  	s6 =	simm.s32 @p0 $0x1FCA;
	s12 =	rddreg [dreg:$0x17]  }
0x3a: {  	[hbm:s8], [sflag:s6] =	dma.local @p0 [spmem:s12], $0x2080  }
0x3b: {  	s8 =	simm.s32 @p0 $0xA  }
0x3c: {  	_ =	swait.ge @p0 [sflag:s8], $0x2080  }
0x3d: {  	[sflag:s8] =	ssyncset.done @p0 $0x0;
	s12 =	rddreg [dreg:$0x11]  }
0x3e: {  	s17 =	rddreg [dreg:$0x18];
	[sflag:s8] =	ssyncadd.s32 @p0 $0xFFFFDF80  }
0x3f: {  	[hbm:s12], [sflag:s6] =	dma.local @p0 [spmem:s17], $0x700  }
0x40: {  	_ =	swait.ge @p0 [sflag:s8], $0x700  }
0x41: {  	[sflag:s8] =	ssyncset.done @p0 $0x0;
	s12 =	rddreg [dreg:$0x12]  }
0x42: {  	s17 =	rddreg [dreg:$0x1f];
	[sflag:s8] =	ssyncadd.s32 @p0 $0xFFFFF900  }
0x43: {  	[hbm:s12], [sflag:s6] =	dma.local @p0 [spmem:s17], $0x80  }
0x44: {  	_ =	swait.ge @p0 [sflag:s8], $0x80  }
0x45: {  	s6 =	rddreg [dreg:$0xa]  }
0x46: {  	[sflag:s8] =	ssyncset.done @p0 $0x0;
	s17 =	rddreg [dreg:$0x1e]  }
0x47: {  	[sflag:s8] =	ssyncadd.s32 @p0 $0xFFFFFF80;
	s8 =	rddreg [dreg:$0x19]  }
0x48: {  	[hbm:s6], [sflag:s17] =	dma.local @!p0 [spmem:s8], $0x2780  }
0x49: {  	s6 =	simm.s32 @!p0 $0xA  }
0x4a: {  	_ =	swait.ge @!p0 [sflag:s6], $0x2780  }
0x4b: {  	[sflag:s6] =	ssyncset.done @!p0 $0x0;
	s8 =	rddreg [dreg:$0xf]  }
0x4c: {  	s12 =	rddreg [dreg:$0x1a];
	[sflag:s6] =	ssyncadd.s32 @!p0 $0xFFFFD880  }
0x4d: {  	[hbm:s8], [sflag:s17] =	dma.local @!p0 [spmem:s12], $0xA00  }
0x4e: {  	_ =	swait.ge @!p0 [sflag:s6], $0xA00  }
0x4f: {  	[sflag:s6] =	ssyncset.done @!p0 $0x0;
	s8 =	rddreg [dreg:$0xb]  }
0x50: {  	s12 =	rddreg [dreg:$0x1b];
	[sflag:s6] =	ssyncadd.s32 @!p0 $0xFFFFF600  }
0x51: {  	[hbm:s8], [sflag:s17] =	dma.local @!p0 [spmem:s12], $0x60  }
0x52: {  	_ =	swait.ge @!p0 [sflag:s6], $0x60  }
0x53: {  	s8 =	rddreg [dreg:$0x1d]  }
0x54: {  	s17 =	rddreg [dreg:$0x13];
	s12 =	sadd.s32 $0x1, s8  }
0x55: {  	p1 =	sne.s32 s12, s17  }
.Ltmp1:
0x56: {  	_ = 	snop;
	(pc) =	sbr.rel @!p1 .LBB2_5-.Ltmp1, $3  }
0x57: {  	_ =	sdelay $0x1  }
0x58: {  	[sflag:s6] =	ssyncset.done @!p0 $0x0  }
0x59: {  	[sflag:s6] =	ssyncadd.s32 @!p0 $0xFFFFFFA0  }
.LBB2_1:
0x5a: {  	[dreg:$0x1d] =	wrdreg s12  }
0x5b: {  	s8 =	rddreg [dreg:$0x2]  }
0x5c: {  	s6 =	simm.s32 @p0 $0x1FCA;
	s12 =	rddreg [dreg:$0x14];
	s17 =	simm.s32 @p0 $0xA  }
0x5d: {  	[spmem:s12], [sflag:s6] =	dma.local @p0 [hbm:s8], $0x2F00  }
0x5e: {  	_ =	swait.ge @p0 [sflag:s17], $0x2F00  }
0x5f: {  	s12 =	rddreg [dreg:$0x1c]  }
0x60: {  	[sflag:s17] =	ssyncset.done @p0 $0x0;
	s6 =	sshrl.u32 @p0 s12, $0x3;
	s12 =	rddreg [dreg:$0xd]  }
0x61: {  	s8 =	simm.s32 @p0 $0x1FCA;
	[sflag:s17] =	ssyncadd.s32 @p0 $0xFFFFD100;
	[dreg:$0x1f] =	wrdreg s6  }
0x62: {  	[spmem:s6], [sflag:s8] =	dma.local @p0 [hbm:s12], $0x80  }
0x63: {  	s6 =	stileid.u32;
	_ =	swait.ge @p0 [sflag:s17], $0x80  }
0x64: {  	s6 =	sshll.u32 @!p0 s6, $0x6;
	[sflag:s17] =	ssyncset.done @p0 $0x0  }
0x65: {  	[sflag:s17] =	ssyncadd.s32 @p0 $0xFFFFFF80;
	s17 =	sor.u32 @!p0 $0x1C0A, s6;
	s6 =	rddreg [dreg:$0x15]  }
0x66: {  	s8 =	rddreg [dreg:$0x2]  }
0x67: {  	[spmem:s6], [sflag:s17] =	dma.local @!p0 [hbm:s8], $0x3100  }
0x68: {  	s6 =	simm.s32 @!p0 $0xA  }
0x69: {  	_ =	swait.ge @!p0 [sflag:s6], $0x3100  }
0x6a: {  	[dreg:$0x1e] =	wrdreg s17;
	[sflag:s6] =	ssyncset.done @!p0 $0x0  }
0x6b: {  	s8 =	rddreg [dreg:$0x16];
	[sflag:s6] =	ssyncadd.s32 @!p0 $0xFFFFCF00  }
0x6c: {  	[spmem:s8], [sflag:s17] =	dma.local @!p0 [hbm:s12], $0x60  }
0x6d: {  	_ =	swait.ge @!p0 [sflag:s6], $0x60  }
0x6e: {  	[sflag:s6] =	ssyncset.done @!p0 $0x0  }
0x6f: {  	s12 =	simm.s32 $0xA;
	s8 =	rddreg [dreg:$0xe];
	[sflag:s6] =	ssyncadd.s32 @!p0 $0xFFFFFFA0  }
0x70: {  	[tilespmem:s7], [sflag:$0xA] =	stream.linear.gather [hbm4b:s8+s5], $0x40, $0x38;
	[tilespmem:$0x1ED90] =	vst v63  }
0x71: {  	_ =	swait.ge [sflag:s12], $0x40  }
0x72: {  	[sflag:s12] =	ssyncset.done $0x0  }
0x73: {  	[sflag:s12] =	ssyncadd.s32 $0xFFFFFFC0  }
0x74: {  	[bflag:$0x0] =	sbarrier.arrive $0xFFFF  }
0x75: {  	s17 =	rddreg [dreg:$0x6]  }
0x76: {  	[tilespmem:s5], [sflag:$0x7] =	stream.linear.gather [hbm4b:s17+s5], $0x40, $0x38;
	[tilespmem:$0x1ED90] =	vst v63  }
0x77: {  	s8 =	rddreg [dreg:$0x7]  }
0x78: {  	[tilespmem:s9], [sflag:$0x7] =	stream.linear.gather [hbm4b:s8+s5], $0x40, $0x38;
	[tilespmem:$0x1ED90] =	vst v63  }
0x79: {  	s12 =	rddreg [dreg:$0x8]  }
0x7a: {  	[tilespmem:s10], [sflag:$0x8] =	stream.linear.gather [hbm4b:s12+s5], $0x40, $0x38;
	[tilespmem:$0x1ED90] =	vst v63  }
0x7b: {  	s17 =	rddreg [dreg:$0x9]  }
0x7c: {  	[tilespmem:s11], [sflag:$0x8] =	stream.linear.gather [hbm4b:s17+s5], $0x40, $0x38;
	[tilespmem:$0x1ED90] =	vst v63  }
0x7d: {  	_ =	swait.ge [sflag:s18], $0x40  }
0x7e: {  	[sflag:s18] =	ssyncset.done $0x0  }
0x7f: {  	[sflag:s18] =	ssyncadd.s32 $0xFFFFFFC0  }
0x80: {  	_ =	swait.ge [sflag:s18], $0x40  }
0x81: {  	[sflag:s18] =	ssyncset.done $0x0  }
0x82: {  	s6 =	simm.s32 $0x0;
	[sflag:s18] =	ssyncadd.s32 $0xFFFFFFC0  }
0x83: {  	[tilespmem:s20], [sflag:$0x1] =	stream.indirect.gather [hbm4b:s16+s19], $0x80, s5, s19, $0xb8;
	[tilespmem:$0x1ED90] =	vst v63  }
.LBB2_2:
0x84: {  	_ =	swait.ge [sflag:s21], $0x2000  }
0x85: {  	[sflag:s21] =	ssyncset.done $0x0  }
0x86: {  	p1 =	seq.s32 s6, $0x0;
	[sflag:s21] =	ssyncadd.s32 $0xFFFFE000  }
0x87: {  	[spmem:s3] =	stream.indirect.scatter.add.f32 [tilespmem:s20], [sflag:$0x4], $0x80, s9, s19, $0xb8;
	[tilespmem:$0x1ED90] =	vst v63  }
0x88: {  	s17 =	simm.s32 @!p1 $0x6  }
0x89: {  	[spmem:s4] =	stream.indirect.scatter.add.f32 [tilespmem:s7], [sflag:$0x4], $0x1, s9, s19, $0xb8;
	[tilespmem:$0x1ED90] =	vst v63  }
0x8a: {  	_ =	swait.ge @!p1 [sflag:s17], $0x2000  }
0x8b: {  	[sflag:s17] =	ssyncset.done @!p1 $0x0  }
0x8c: {  	[sflag:s17] =	ssyncadd.s32 @!p1 $0xFFFFE000  }
0x8d: {  	_ =	swait.ge @!p1 [sflag:s17], $0x40  }
0x8e: {  	[sflag:s17] =	ssyncset.done @!p1 $0x0  }
0x8f: {  	s8 =	sadd.s32 s6, s14;
	[sflag:s17] =	ssyncadd.s32 @!p1 $0xFFFFFFC0  }
0x90: {  	[tilespmem:s22], [sflag:$0x9] =	stream.linear.gather [hbm4b:s8+s5], $0x40, $0x38;
	[tilespmem:$0x1ED90] =	vst v63  }
0x91: {  	s12 =	sadd.s32 s6, s15  }
0x92: {  	[tilespmem:s23], [sflag:$0x9] =	stream.linear.gather [hbm4b:s12+s5], $0x40, $0x38;
	[tilespmem:$0x1ED90] =	vst v63  }
0x93: {  	_ =	swait.ge [sflag:s26], $0x40  }
0x94: {  	[sflag:s26] =	ssyncset.done $0x0  }
0x95: {  	[sflag:s26] =	ssyncadd.s32 $0xFFFFFFC0  }
0x96: {  	_ =	swait.ge [sflag:s26], $0x40  }
0x97: {  	[sflag:s26] =	ssyncset.done $0x0  }
0x98: {  	[sflag:s26] =	ssyncadd.s32 $0xFFFFFFC0  }
0x99: {  	[tilespmem:s28], [sflag:$0x2] =	stream.indirect.gather [hbm4b:s16+s19], $0x80, s10, s19, $0xb8;
	[tilespmem:$0x1ED90] =	vst v63  }
0x9a: {  	_ =	swait.ge [sflag:s29], $0x2000  }
0x9b: {  	[sflag:s29] =	ssyncset.done $0x0  }
0x9c: {  	[sflag:s29] =	ssyncadd.s32 $0xFFFFE000  }
0x9d: {  	[spmem:s3] =	stream.indirect.scatter.add.f32 [tilespmem:s28], [sflag:$0x5], $0x80, s11, s19, $0xb8;
	[tilespmem:$0x1ED90] =	vst v63  }
0x9e: {  	_ = 	snop  }
0x9f: {  	[spmem:s4] =	stream.indirect.scatter.add.f32 [tilespmem:s7], [sflag:$0x5], $0x1, s11, s19, $0xb8;
	[tilespmem:$0x1ED90] =	vst v63  }
0xa0: {  	_ =	swait.ge [sflag:s30], $0x2000  }
0xa1: {  	[sflag:s30] =	ssyncset.done $0x0  }
0xa2: {  	[sflag:s30] =	ssyncadd.s32 $0xFFFFE000  }
0xa3: {  	_ =	swait.ge [sflag:s30], $0x40  }
0xa4: {  	p1 =	seq.s32 s6, $0x570;
	[sflag:s30] =	ssyncset.done $0x0  }
0xa5: {  	s17 =	sadd.s32 @!p1 s6, s24;
	s8 =	simm.s32 @!p1 $0x0;
	[sflag:s30] =	ssyncadd.s32 $0xFFFFFFC0  }
0xa6: {  	[tilespmem:s8], [sflag:$0x7] =	stream.linear.gather @!p1 [hbm4b:s17+s8], $0x40, $0x38;
	[tilespmem:$0x1ED90] =	vst v63  }
0xa7: {  	s12 =	simm.s32 @!p1 $0x180;
	s17 =	sadd.s32 @!p1 s6, s25  }
0xa8: {  	[tilespmem:s12], [sflag:$0x7] =	stream.linear.gather @!p1 [hbm4b:s17+s8], $0x40, $0x38;
	[tilespmem:$0x1ED90] =	vst v63  }
0xa9: {  	_ =	swait.ge [sflag:s31], $0x40  }
0xaa: {  	[sflag:s31] =	ssyncset.done $0x0  }
0xab: {  	[sflag:s31] =	ssyncadd.s32 $0xFFFFFFC0  }
0xac: {  	_ =	swait.ge [sflag:s31], $0x40  }
0xad: {  	[sflag:s31] =	ssyncset.done $0x0  }
0xae: {  	[sflag:s31] =	ssyncadd.s32 $0xFFFFFFC0  }
0xaf: {  	[tilespmem:s2], [sflag:$0x3] =	stream.indirect.gather [hbm4b:s16+s19], $0x80, s22, s19, $0xb8;
	[tilespmem:$0x1ED90] =	vst v63  }
0xb0: {  	_ =	swait.ge [sflag:s0], $0x2000  }
0xb1: {  	[sflag:s0] =	ssyncset.done $0x0  }
0xb2: {  	[sflag:s0] =	ssyncadd.s32 $0xFFFFE000  }
0xb3: {  	[spmem:s3] =	stream.indirect.scatter.add.f32 [tilespmem:s2], [sflag:$0x6], $0x80, s23, s19, $0xb8;
	[tilespmem:$0x1ED90] =	vst v63  }
0xb4: {  	_ = 	snop  }
0xb5: {  	[spmem:s4] =	stream.indirect.scatter.add.f32 [tilespmem:s7], [sflag:$0x6], $0x1, s23, s19, $0xb8;
	[tilespmem:$0x1ED90] =	vst v63  }
0xb6: {  	_ =	swait.ge [sflag:s1], $0x2000  }
.Ltmp2:
0xb7: {  	[sflag:s1] =	ssyncset.done $0x0;
	(pc) =	sbr.rel @p1 .LBB2_4-.Ltmp2, $4  }
0xb8: {  	[sflag:s1] =	ssyncadd.s32 $0xFFFFE000  }
0xb9: {  	_ =	swait.ge [sflag:s1], $0x40  }
0xba: {  	[sflag:s1] =	ssyncset.done $0x0  }
0xbb: {  	[sflag:s1] =	ssyncadd.s32 $0xFFFFFFC0  }
0xbc: {  	s8 =	rddreg [dreg:$0xc]  }
0xbd: {  	s8 =	sadd.s32 s6, s8  }
0xbe: {  	[tilespmem:s10], [sflag:$0x8] =	stream.linear.gather [hbm4b:s8+s5], $0x40, $0x38;
	[tilespmem:$0x1ED90] =	vst v63  }
0xbf: {  	s17 =	sadd.s32 s6, s13  }
0xc0: {  	[tilespmem:s11], [sflag:$0x8] =	stream.linear.gather [hbm4b:s17+s5], $0x40, $0x38;
	[tilespmem:$0x1ED90] =	vst v63  }
0xc1: {  	_ =	swait.ge [sflag:s18], $0x40  }
0xc2: {  	[sflag:s18] =	ssyncset.done $0x0  }
.Ltmp3:
0xc3: {  	[sflag:s18] =	ssyncadd.s32 $0xFFFFFFC0;
	(pc) =	sbr.rel .LBB2_2-.Ltmp3, $4  }
0xc4: {  	_ =	swait.ge [sflag:s18], $0x40  }
0xc5: {  	[sflag:s18] =	ssyncset.done $0x0  }
0xc6: {  	s6 =	sadd.s32 $0x18, s6;
	[sflag:s18] =	ssyncadd.s32 $0xFFFFFFC0  }
0xc7: {  	[tilespmem:s20], [sflag:$0x1] =	stream.indirect.gather [hbm4b:s16+s19], $0x80, s5, s19, $0xb8;
	[tilespmem:$0x1ED90] =	vst v63  }
.LBB2_5:
0xc8: {  	_ =	sfence.sel $0x180000  }
0xc9: {  	[bflag:$0x0] =	sbarrier.arrive $0xFFFF  }
0xca: {  	_ =	strace $0x90000047  }
0xcb: {  	s0 =	stileid.u32;
	[bflag:$0x2] =	sbarrier.arrive $0xFFFF  }
0xcc: {  	p0 =	sne.s32 s0, $0x0;
	s0 =	rddreg [dreg:$0x5]  }
0xcd: {  	s0 =	sadd.s32 @!p0 $0x100000, s0  }
0xce: {  	[sflag:s0] =	ssyncadd.tile.s32 @!p0 $0x1;
	_ =	shalt  }
.Lfunc_end2:
_tile_overlayer_lowered:
.L_overlay_start_2:
0xcf: {  	(tag) =	ssettag $0x2  }
0xd0: {  	s0 =	rddreg [dreg:$0x0];
	s2 =	stileid.u32  }
0xd1: {  	s1 =	rddreg [dreg:$0x1];
	p0 =	sne.s32 s2, $0x0  }
0xd2: {  	s3 =	rddreg [dreg:$0x2];
	[bflag:$0x3] =	sbarrier.arrive $0xFFFF;
	s2 =	simm.s32 @!p0 $0x1C0A  }
0xd3: {  	[timem:s3], [sflag:s2] =	dma.local @!p0 [hbm:s0], s1  }
0xd4: {  	s0 =	simm.s32 @!p0 $0xA  }
0xd5: {  	_ =	swait.ge @!p0 [sflag:s0], s1  }
0xd6: {  	s1 =	ssub.s32 @!p0 $0x0, s1;
	[sflag:s0] =	ssyncset.done @!p0 $0x0  }
0xd7: {  	[sflag:s0] =	ssyncadd.s32 @!p0 s1  }
0xd8: {  	[bflag:$0x3] =	sbarrier.arrive $0xFFFF  }
0xd9: {  	_ =	shalt  }

</sc_bundles>
